<compile_context>
chip_gen: v7x
topology: tpu7x:2x2x1
jax: 0.10.2.dev20260603
libtpu: 0.0.44.dev20260713+nightly
codegen_flags: <defaults>
</compile_context>

<pallas_src>
import functools

import jax
import jax.numpy as jnp
from jax import lax
from jax.experimental import pallas as pl
from jax.experimental.pallas import tpu as pltpu, tpu_sc as plsc

N = 10000
NP = 10240
E = 320000
D = 128
NG = 64
DEGW = 16

NC = 2
NS = 16
NW = NC * NS
EPW = E // NW
GD = 80
NCHD = EPW // GD
G = 128
EPWP = 10240
NCH = EPWP // G
PH = NCH // 2
RPS = NP // NS

_mesh = plsc.VectorSubcoreMesh(core_axis_name="c", subcore_axis_name="s")



@functools.partial(
    pl.kernel,
    out_type=jax.ShapeDtypeStruct((NC, NP, DEGW), jnp.float32),
    mesh=_mesh,
    scratch_types=[
        pltpu.VMEM((NCHD, GD), jnp.int32),
        pltpu.VMEM((GD, DEGW), jnp.float32),
        pltpu.VMEM_SHARED((NP, DEGW), jnp.float32),
    ],
)
def _sc_degree(ei_hbm, ones_hbm, z16_hbm, out_hbm, didx, obuf, acc):
    cid = lax.axis_index("c")
    sid = lax.axis_index("s")
    w = cid * NS + sid
    pltpu.sync_copy(ei_hbm.at[1, w], didx)
    pltpu.sync_copy(ones_hbm, obuf)
    pltpu.sync_copy(z16_hbm, acc.at[pl.ds(sid * RPS, RPS)])
    plsc.subcore_barrier()

    def body(j, carry):
        pltpu.sync_copy(obuf, acc.at[didx.at[j]], add=True)
        return carry

    lax.fori_loop(0, NCHD, body, 0)
    plsc.subcore_barrier()
    pltpu.sync_copy(acc.at[pl.ds(sid * RPS, RPS)],
                    out_hbm.at[cid, pl.ds(sid * RPS, RPS)])


@functools.partial(
    pl.kernel,
    out_type=jax.ShapeDtypeStruct((NC, NP, D), jnp.float32),
    mesh=_mesh,
    scratch_types=[
        pltpu.VMEM((2 * PH, G), jnp.int32),
        pltpu.VMEM((G, D), jnp.float32),
        pltpu.VMEM((G, D), jnp.float32),
        pltpu.VMEM_SHARED((NP, D), jnp.float32),
        pltpu.SemaphoreType.DMA,
        pltpu.SemaphoreType.DMA,
    ],
)
def _sc_propagate(h_hbm, ei_hbm, z_hbm, out_hbm,
                  ibuf, rbuf0, rbuf1, acc, gsem0, gsem1):
    cid = lax.axis_index("c")
    sid = lax.axis_index("s")
    w = cid * NS + sid
    pltpu.sync_copy(z_hbm, acc.at[pl.ds(sid * RPS, RPS)])
    plsc.subcore_barrier()

    for p in range(2):
        pltpu.sync_copy(ei_hbm.at[w, pl.ds(p * 2 * PH, 2 * PH)], ibuf)
        pltpu.async_copy(h_hbm.at[ibuf.at[0]], rbuf0, gsem0)
        pltpu.async_copy(h_hbm.at[ibuf.at[2]], rbuf1, gsem1)

        def body(i, carry):
            j = i * 2
            for b, (rb, sem) in enumerate(((rbuf0, gsem0), (rbuf1, gsem1))):
                jj = j + b
                pltpu.make_async_copy(h_hbm.at[pl.ds(0, G)], rb, sem).wait()
                pltpu.sync_copy(rb, acc.at[ibuf.at[2 * jj + 1]], add=True)

                @pl.when(jj + 2 < PH)
                def _():
                    pltpu.async_copy(h_hbm.at[ibuf.at[2 * (jj + 2)]], rb, sem)
            return carry

        lax.fori_loop(0, PH // 2, body, 0)

    plsc.subcore_barrier()
    pltpu.sync_copy(acc.at[pl.ds(sid * RPS, RPS)],
                    out_hbm.at[cid, pl.ds(sid * RPS, RPS)])



def _tc_prep_body(cnt_ref, x_ref, w1_ref, h1p_ref, disb_ref):
    c = cnt_ref[...]
    deg = c[0, :N, 0:1] + c[1, :N, 0:1] + 1.0
    dis = lax.rsqrt(deg)
    h = jnp.dot(x_ref[...], w1_ref[...], preferred_element_type=jnp.float32)
    h1p_ref[...] = h * dis
    disb_ref[...] = jnp.broadcast_to(dis, (N, D))


def _tc_mid_body(agg_ref, h1p_ref, disb_ref, b1_ref, w2_ref, h2p_ref):
    agg = agg_ref[0, :N] + agg_ref[1, :N]
    z = jnp.maximum(disb_ref[...] * (agg + h1p_ref[...]) + b1_ref[...], 0.0)
    h2p_ref[...] = jnp.dot(z, w2_ref[...],
                           preferred_element_type=jnp.float32) * disb_ref[...]


def _tc_final_body(agg_ref, h2p_ref, disb_ref, b2_ref, bidx_ref, whp_ref,
                   bhp_ref, out_ref):
    agg = agg_ref[0, :N] + agg_ref[1, :N]
    g = disb_ref[...] * (agg + h2p_ref[...]) + b2_ref[...]
    gid = lax.broadcasted_iota(jnp.int32, (NG, N), 0)
    p = (gid == bidx_ref[...]).astype(jnp.float32)
    sums = jnp.dot(p, g, preferred_element_type=jnp.float32)
    cnt = jnp.sum(p, axis=1, keepdims=True)
    pooled = sums / jnp.maximum(cnt, 1.0)
    out_ref[...] = jnp.dot(pooled, whp_ref[...],
                           preferred_element_type=jnp.float32) + bhp_ref[...]


_tc_prep = pl.pallas_call(
    _tc_prep_body,
    out_shape=(jax.ShapeDtypeStruct((N, D), jnp.float32),
               jax.ShapeDtypeStruct((N, D), jnp.float32)),
)

_tc_mid = pl.pallas_call(
    _tc_mid_body,
    out_shape=jax.ShapeDtypeStruct((N, D), jnp.float32),
)

_tc_final = pl.pallas_call(
    _tc_final_body,
    out_shape=jax.ShapeDtypeStruct((NG, D), jnp.float32),
)



def kernel(x, edge_index, batch_idx, W1, b1, W2, b2, Wh, bh):
    ei_deg = edge_index.reshape(2, NW, NCHD, GD)
    src_p = jnp.pad(edge_index[0].reshape(NW, EPW), ((0, 0), (0, EPWP - EPW)),
                    constant_values=0).reshape(NW, NCH, 1, G)
    dst_p = jnp.pad(edge_index[1].reshape(NW, EPW), ((0, 0), (0, EPWP - EPW)),
                    constant_values=N).reshape(NW, NCH, 1, G)
    ei = jnp.concatenate([src_p, dst_p], axis=2).reshape(NW, 2 * NCH, G)
    ones16 = jnp.ones((GD, DEGW), jnp.float32)
    z16 = jnp.zeros((RPS, DEGW), jnp.float32)
    z = jnp.zeros((RPS, D), jnp.float32)
    bidx2 = batch_idx.reshape(1, N)
    whp = jnp.pad(Wh, ((0, 0), (0, D - Wh.shape[1])))
    bhp = jnp.pad(bh, (0, D - bh.shape[0]))

    cnt = _sc_degree(ei_deg, ones16, z16)
    h1p, disb = _tc_prep(cnt, x, W1)
    agg1 = _sc_propagate(h1p, ei, z)
    h2p = _tc_mid(agg1, h1p, disb, b1, W2)
    agg2 = _sc_propagate(h2p, ei, z)
    out = _tc_final(agg2, h2p, disb, b2, bidx2, whp, bhp)
    return out[:, :Wh.shape[1]]

# --- scband reference (transcript-rebuilt; emitter-appended) ---
"""Pipeline reference for scband-graph-gnnmodel-2284922601525 (READ-ONLY COPY).

The authoritative reference and input builder live on the scoring server;
editing this copy changes nothing except your own understanding.
"""

import jax, jax.numpy as jnp
import numpy as np

N = 10000
E = 320000
C_IN = 128
C_HID = 128
C_OUT = 10
N_GRAPHS = 64


def setup_inputs(seed: int = 0):
    key = jax.random.key(seed)
    ks = jax.random.split(key, 6)
    x = jax.random.normal(ks[0], (N, C_IN), dtype=jnp.float32)
    edge_index = jax.random.randint(ks[1], (2, E), 0, N, dtype=jnp.int32)
    batch_idx = jnp.sort(jax.random.randint(ks[2], (N,), 0, N_GRAPHS, dtype=jnp.int32))
    W1 = jax.random.normal(ks[3], (C_IN, C_HID), jnp.float32) * (1.0 / np.sqrt(C_IN))
    b1 = jnp.zeros((C_HID,), jnp.float32)
    W2 = jax.random.normal(ks[4], (C_HID, C_HID), jnp.float32) * (1.0 / np.sqrt(C_HID))
    b2 = jnp.zeros((C_HID,), jnp.float32)
    Wh = jax.random.normal(ks[5], (C_HID, C_OUT), jnp.float32) * (1.0 / np.sqrt(C_HID))
    bh = jnp.zeros((C_OUT,), jnp.float32)
    return {"x": x, "edge_index": edge_index, "batch_idx": batch_idx,
            "W1": W1, "b1": b1, "W2": W2, "b2": b2, "Wh": Wh, "bh": bh}


def _gcn(x, src, dst, norm, W, b, n):
    # GCNConv: linear transform, then symmetric-normalized neighbor aggregation
    h = x @ W
    msg = h[src] * norm[:, None]
    agg = jax.ops.segment_sum(msg, dst, num_segments=n)
    return agg + b


def reference(x, edge_index, batch_idx, W1, b1, W2, b2, Wh, bh):
    n = x.shape[0]
    loop = jnp.arange(n, dtype=edge_index.dtype)
    src = jnp.concatenate([edge_index[0], loop])
    dst = jnp.concatenate([edge_index[1], loop])
    deg = jax.ops.segment_sum(jnp.ones_like(dst, dtype=jnp.float32), dst, num_segments=n)
    dis = jax.lax.rsqrt(jnp.maximum(deg, 1.0))
    norm = dis[src] * dis[dst]
    # GNNModel: GCN(c_in->c_hidden) + ReLU + Dropout(eval: identity) + GCN(c_hidden->c_hidden)
    h = _gcn(x, src, dst, norm, W1, b1, n)
    h = jax.nn.relu(h)
    h = _gcn(h, src, dst, norm, W2, b2, n)
    # global_mean_pool over batch_idx
    sums = jax.ops.segment_sum(h, batch_idx, num_segments=N_GRAPHS)
    cnt = jax.ops.segment_sum(jnp.ones((n,), h.dtype), batch_idx, num_segments=N_GRAPHS)
    pooled = sums / jnp.maximum(cnt, 1.0)[:, None]
    # head: Dropout(eval: identity) + Linear(c_hidden -> c_out)
    return pooled @ Wh + bh

if __name__ == "__main__":
    import jax
    _d = setup_inputs()
    print(jax.jit(kernel)(*tuple(_d.values())))

</pallas_src>

<mosaic_0001>
#map = affine_map<(d0, d1) -> (0, 0)>
#map1 = affine_map<(d0, d1) -> (0, 0, 0)>
module attributes {stable_mosaic.version = 14 : i64} {
  func.func @_sc_propagate(%arg0: i32, %arg1: i32, %arg2: memref<10000x128xf32, #tpu.memory_space<hbm>>, %arg3: memref<32x160x128xi32, #tpu.memory_space<hbm>>, %arg4: memref<640x128xf32, #tpu.memory_space<hbm>>, %arg5: memref<2x10240x128xf32, #tpu.memory_space<hbm>>, %arg6: memref<80x128xi32, #tpu.memory_space<vmem>>, %arg7: memref<128x128xf32, #tpu.memory_space<vmem>>, %arg8: memref<128x128xf32, #tpu.memory_space<vmem>>, %arg9: memref<10240x128xf32, #tpu.memory_space<vmem_shared>>, %arg10: memref<!tpu.dma_semaphore, #tpu.memory_space<semaphore_mem>>, %arg11: memref<!tpu.dma_semaphore, #tpu.memory_space<semaphore_mem>>) attributes {dimension_semantics = [#tpu.dimension_semantics<core_parallel>, #tpu.dimension_semantics<subcore_parallel>], iteration_bounds = array<i64: 2, 16>, scalar_prefetch = 0 : i64, scratch_operands = 6 : i64, tpu.core_type = #tpu.core_type<sc_vector_subcore>, window_params = [{transform_indices = #map}, {transform_indices = #map1}, {transform_indices = #map}, {transform_indices = #map1}]} {
    %mul3A = arith.constant 16 : i32
    %mul3A_0 = arith.muli %arg0, %mul3A : i32
    %add3A = arith.addi %mul3A_0, %arg1 : i32
    %mul3A_1 = arith.constant 640 : i32
    %mul3A_2 = arith.muli %arg1, %mul3A_1 : i32
    "tpu.region"() ({
      %run_scoped3A = tpu.sem_alloc : memref<!tpu.dma_semaphore, #tpu.memory_space<semaphore_mem>>
      %dma_start3A_46 = arith.constant 0 : i32
      %dma_start3A_47 = tpu.memref_slice %arg9[%mul3A_2, %dma_start3A_46] : memref<10240x128xf32, #tpu.memory_space<vmem_shared>> -> memref<640x128xf32, #tpu.memory_space<vmem_shared>>
      tpu.enqueue_dma source(%arg4 : memref<640x128xf32, #tpu.memory_space<hbm>>) target(%dma_start3A_47 : memref<640x128xf32, #tpu.memory_space<vmem_shared>>) target_semaphore(%run_scoped3A : memref<!tpu.dma_semaphore, #tpu.memory_space<semaphore_mem>>)
      %dma_wait3A = arith.constant 0 : i32
      %dma_wait3A_48 = tpu.memref_slice %arg9[%mul3A_2, %dma_wait3A] : memref<10240x128xf32, #tpu.memory_space<vmem_shared>> -> memref<640x128xf32, #tpu.memory_space<vmem_shared>>
      tpu.wait_dma2 semaphore(%run_scoped3A : memref<!tpu.dma_semaphore, #tpu.memory_space<semaphore_mem>>) src(%arg4 : memref<640x128xf32, #tpu.memory_space<hbm>>) dst(%dma_wait3A_48 : memref<640x128xf32, #tpu.memory_space<vmem_shared>>)
      tpu.yield
    }) : () -> ()
    %barrier3A = arith.constant 0 : index
    tpu.barrier barrier_id(%barrier3A)
    "tpu.region"() ({
      %run_scoped3A = tpu.sem_alloc : memref<!tpu.dma_semaphore, #tpu.memory_space<semaphore_mem>>
      %dma_start3A_46 = arith.constant 0 : i32
      %dma_start3A_47 = arith.constant 0 : i32
      %dma_start3A_48 = tpu.memref_slice %arg3[%add3A, %dma_start3A_46, %dma_start3A_47] : memref<32x160x128xi32, #tpu.memory_space<hbm>> -> memref<1x80x128xi32, #tpu.memory_space<hbm>>
      %dma_start3A_49 = tpu.memref_squeeze %dma_start3A_48 : memref<1x80x128xi32, #tpu.memory_space<hbm>> -> memref<80x128xi32, #tpu.memory_space<hbm>>
      %dma_start3A_50 = arith.constant 0 : i32
      %dma_start3A_51 = arith.constant 0 : i32
      %dma_start3A_52 = tpu.memref_slice %arg3[%add3A, %dma_start3A_50, %dma_start3A_51] : memref<32x160x128xi32, #tpu.memory_space<hbm>> -> memref<1x80x128xi32, #tpu.memory_space<hbm>>
      %dma_start3A_53 = tpu.memref_squeeze %dma_start3A_52 : memref<1x80x128xi32, #tpu.memory_space<hbm>> -> memref<80x128xi32, #tpu.memory_space<hbm>>
      tpu.enqueue_dma source(%dma_start3A_53 : memref<80x128xi32, #tpu.memory_space<hbm>>) target(%arg6 : memref<80x128xi32, #tpu.memory_space<vmem>>) target_semaphore(%run_scoped3A : memref<!tpu.dma_semaphore, #tpu.memory_space<semaphore_mem>>)
      %dma_wait3A = arith.constant 0 : i32
      %dma_wait3A_54 = arith.constant 0 : i32
      %dma_wait3A_55 = tpu.memref_slice %arg3[%add3A, %dma_wait3A, %dma_wait3A_54] : memref<32x160x128xi32, #tpu.memory_space<hbm>> -> memref<1x80x128xi32, #tpu.memory_space<hbm>>
      %dma_wait3A_56 = tpu.memref_squeeze %dma_wait3A_55 : memref<1x80x128xi32, #tpu.memory_space<hbm>> -> memref<80x128xi32, #tpu.memory_space<hbm>>
      %dma_wait3A_57 = arith.constant 0 : i32
      %dma_wait3A_58 = arith.constant 0 : i32
      %dma_wait3A_59 = tpu.memref_slice %arg3[%add3A, %dma_wait3A_57, %dma_wait3A_58] : memref<32x160x128xi32, #tpu.memory_space<hbm>> -> memref<1x80x128xi32, #tpu.memory_space<hbm>>
      %dma_wait3A_60 = tpu.memref_squeeze %dma_wait3A_59 : memref<1x80x128xi32, #tpu.memory_space<hbm>> -> memref<80x128xi32, #tpu.memory_space<hbm>>
      tpu.wait_dma2 semaphore(%run_scoped3A : memref<!tpu.dma_semaphore, #tpu.memory_space<semaphore_mem>>) src(%dma_wait3A_60 : memref<80x128xi32, #tpu.memory_space<hbm>>) dst(%arg6 : memref<80x128xi32, #tpu.memory_space<vmem>>)
      tpu.yield
    }) : () -> ()
    %dma_start3A = arith.constant 0 : i32
    %dma_start3A_3 = arith.constant 0 : i32
    %dma_start3A_4 = tpu.memref_slice %arg6[%dma_start3A, %dma_start3A_3] : memref<80x128xi32, #tpu.memory_space<vmem>> -> memref<1x128xi32, #tpu.memory_space<vmem>>
    %dma_start3A_5 = tpu.memref_squeeze %dma_start3A_4 : memref<1x128xi32, #tpu.memory_space<vmem>> -> memref<128xi32, #tpu.memory_space<vmem>>
    %dma_start3A_6 = arith.constant 0 : i32
    %dma_start3A_7 = arith.constant 0 : i32
    %dma_start3A_8 = tpu.memref_slice %arg2[%dma_start3A_6, %dma_start3A_7] : memref<10000x128xf32, #tpu.memory_space<hbm>> -> memref<10000x128xf32, #tpu.memory_space<hbm>>
    tpu.enqueue_indirect_dma source(%dma_start3A_8 : memref<10000x128xf32, #tpu.memory_space<hbm>>) target(%arg7 : memref<128x128xf32, #tpu.memory_space<vmem>>) offsets(%dma_start3A_5 : memref<128xi32, #tpu.memory_space<vmem>>) semaphore(%arg10 : memref<!tpu.dma_semaphore, #tpu.memory_space<semaphore_mem>>)
    %dma_start3A_9 = arith.constant 2 : i32
    %dma_start3A_10 = arith.constant 0 : i32
    %dma_start3A_11 = tpu.memref_slice %arg6[%dma_start3A_9, %dma_start3A_10] : memref<80x128xi32, #tpu.memory_space<vmem>> -> memref<1x128xi32, #tpu.memory_space<vmem>>
    %dma_start3A_12 = tpu.memref_squeeze %dma_start3A_11 : memref<1x128xi32, #tpu.memory_space<vmem>> -> memref<128xi32, #tpu.memory_space<vmem>>
    %dma_start3A_13 = arith.constant 0 : i32
    %dma_start3A_14 = arith.constant 0 : i32
    %dma_start3A_15 = tpu.memref_slice %arg2[%dma_start3A_13, %dma_start3A_14] : memref<10000x128xf32, #tpu.memory_space<hbm>> -> memref<10000x128xf32, #tpu.memory_space<hbm>>
    tpu.enqueue_indirect_dma source(%dma_start3A_15 : memref<10000x128xf32, #tpu.memory_space<hbm>>) target(%arg8 : memref<128x128xf32, #tpu.memory_space<vmem>>) offsets(%dma_start3A_12 : memref<128xi32, #tpu.memory_space<vmem>>) semaphore(%arg11 : memref<!tpu.dma_semaphore, #tpu.memory_space<semaphore_mem>>)
    %scan3A = arith.constant 0 : i32
    %scan3A_16 = arith.constant 0 : i32
    %scan3A_17 = arith.constant 20 : i32
    %scan3A_18 = arith.addi %scan3A_16, %scan3A_17 : i32
    %scan3A_19 = arith.constant 1 : i32
    scf.for %scan3A_46 = %scan3A_16 to %scan3A_18 step %scan3A_19  : i32 {
      %mul3A_47 = arith.constant 2 : i32
      %mul3A_48 = arith.muli %scan3A_46, %mul3A_47 : i32
      %add3A_49 = arith.constant 0 : i32
      %add3A_50 = arith.addi %mul3A_48, %add3A_49 : i32
      %dma_wait3A = arith.constant 0 : i32
      %dma_wait3A_51 = arith.constant 0 : i32
      %dma_wait3A_52 = tpu.memref_slice %arg2[%dma_wait3A, %dma_wait3A_51] : memref<10000x128xf32, #tpu.memory_space<hbm>> -> memref<128x128xf32, #tpu.memory_space<hbm>>
      %dma_wait3A_53 = arith.constant 0 : i32
      %dma_wait3A_54 = arith.constant 0 : i32
      %dma_wait3A_55 = tpu.memref_slice %arg2[%dma_wait3A_53, %dma_wait3A_54] : memref<10000x128xf32, #tpu.memory_space<hbm>> -> memref<128x128xf32, #tpu.memory_space<hbm>>
      tpu.wait_dma2 semaphore(%arg10 : memref<!tpu.dma_semaphore, #tpu.memory_space<semaphore_mem>>) src(%dma_wait3A_55 : memref<128x128xf32, #tpu.memory_space<hbm>>) dst(%arg7 : memref<128x128xf32, #tpu.memory_space<vmem>>)
      %mul3A_56 = arith.constant 2 : i32
      %mul3A_57 = arith.muli %mul3A_56, %add3A_50 : i32
      %add3A_58 = arith.constant 1 : i32
      %add3A_59 = arith.addi %mul3A_57, %add3A_58 : i32
      "tpu.region"() ({
        %run_scoped3A = tpu.sem_alloc : memref<!tpu.dma_semaphore, #tpu.memory_space<semaphore_mem>>
        %dma_start3A_83 = arith.constant 0 : i32
        %dma_start3A_84 = tpu.memref_slice %arg6[%add3A_59, %dma_start3A_83] : memref<80x128xi32, #tpu.memory_space<vmem>> -> memref<1x128xi32, #tpu.memory_space<vmem>>
        %dma_start3A_85 = tpu.memref_squeeze %dma_start3A_84 : memref<1x128xi32, #tpu.memory_space<vmem>> -> memref<128xi32, #tpu.memory_space<vmem>>
        %dma_start3A_86 = arith.constant 0 : i32
        %dma_start3A_87 = arith.constant 0 : i32
        %dma_start3A_88 = tpu.memref_slice %arg9[%dma_start3A_86, %dma_start3A_87] : memref<10240x128xf32, #tpu.memory_space<vmem_shared>> -> memref<10240x128xf32, #tpu.memory_space<vmem_shared>>
        tpu.enqueue_indirect_dma source(%arg7 : memref<128x128xf32, #tpu.memory_space<vmem>>) target(%dma_start3A_88 : memref<10240x128xf32, #tpu.memory_space<vmem_shared>>) offsets(%dma_start3A_85 : memref<128xi32, #tpu.memory_space<vmem>>) semaphore(%run_scoped3A : memref<!tpu.dma_semaphore, #tpu.memory_space<semaphore_mem>>) {add = true}
        %dma_wait3A_89 = arith.constant 0 : i32
        %dma_wait3A_90 = tpu.memref_slice %arg6[%add3A_59, %dma_wait3A_89] : memref<80x128xi32, #tpu.memory_space<vmem>> -> memref<1x128xi32, #tpu.memory_space<vmem>>
        %dma_wait3A_91 = tpu.memref_squeeze %dma_wait3A_90 : memref<1x128xi32, #tpu.memory_space<vmem>> -> memref<128xi32, #tpu.memory_space<vmem>>
        %dma_wait3A_92 = arith.constant 0 : i32
        %dma_wait3A_93 = arith.constant 0 : i32
        %dma_wait3A_94 = tpu.memref_slice %arg9[%dma_wait3A_92, %dma_wait3A_93] : memref<10240x128xf32, #tpu.memory_space<vmem_shared>> -> memref<10240x128xf32, #tpu.memory_space<vmem_shared>>
        tpu.wait_indirect_dma semaphore(%run_scoped3A : memref<!tpu.dma_semaphore, #tpu.memory_space<semaphore_mem>>) src(%arg7 : memref<128x128xf32, #tpu.memory_space<vmem>>) dst(%dma_wait3A_94 : memref<10240x128xf32, #tpu.memory_space<vmem_shared>>)
        tpu.yield
      }) : () -> ()
      %add3A_60 = arith.constant 2 : i32
      %add3A_61 = arith.addi %add3A_50, %add3A_60 : i32
      %lt3A = arith.constant 40 : i32
      %lt3A_62 = arith.cmpi slt, %add3A_61, %lt3A : i32
      %convert_element_type3A = arith.extui %lt3A_62 : i1 to i32
      %cond3A = arith.constant 0 : i32
      %cond3A_63 = arith.cmpi ne, %convert_element_type3A, %cond3A : i32
      scf.if %cond3A_63 {
        %add3A_83 = arith.constant 2 : i32
        %add3A_84 = arith.addi %add3A_50, %add3A_83 : i32
        %mul3A_85 = arith.constant 2 : i32
        %mul3A_86 = arith.muli %mul3A_85, %add3A_84 : i32
        %dma_start3A_87 = arith.constant 0 : i32
        %dma_start3A_88 = tpu.memref_slice %arg6[%mul3A_86, %dma_start3A_87] : memref<80x128xi32, #tpu.memory_space<vmem>> -> memref<1x128xi32, #tpu.memory_space<vmem>>
        %dma_start3A_89 = tpu.memref_squeeze %dma_start3A_88 : memref<1x128xi32, #tpu.memory_space<vmem>> -> memref<128xi32, #tpu.memory_space<vmem>>
        %dma_start3A_90 = arith.constant 0 : i32
        %dma_start3A_91 = arith.constant 0 : i32
        %dma_start3A_92 = tpu.memref_slice %arg2[%dma_start3A_90, %dma_start3A_91] : memref<10000x128xf32, #tpu.memory_space<hbm>> -> memref<10000x128xf32, #tpu.memory_space<hbm>>
        tpu.enqueue_indirect_dma source(%dma_start3A_92 : memref<10000x128xf32, #tpu.memory_space<hbm>>) target(%arg7 : memref<128x128xf32, #tpu.memory_space<vmem>>) offsets(%dma_start3A_89 : memref<128xi32, #tpu.memory_space<vmem>>) semaphore(%arg10 : memref<!tpu.dma_semaphore, #tpu.memory_space<semaphore_mem>>)
      } else {
      }
      %add3A_64 = arith.constant 1 : i32
      %add3A_65 = arith.addi %mul3A_48, %add3A_64 : i32
      %dma_wait3A_66 = arith.constant 0 : i32
      %dma_wait3A_67 = arith.constant 0 : i32
      %dma_wait3A_68 = tpu.memref_slice %arg2[%dma_wait3A_66, %dma_wait3A_67] : memref<10000x128xf32, #tpu.memory_space<hbm>> -> memref<128x128xf32, #tpu.memory_space<hbm>>
      %dma_wait3A_69 = arith.constant 0 : i32
      %dma_wait3A_70 = arith.constant 0 : i32
      %dma_wait3A_71 = tpu.memref_slice %arg2[%dma_wait3A_69, %dma_wait3A_70] : memref<10000x128xf32, #tpu.memory_space<hbm>> -> memref<128x128xf32, #tpu.memory_space<hbm>>
      tpu.wait_dma2 semaphore(%arg11 : memref<!tpu.dma_semaphore, #tpu.memory_space<semaphore_mem>>) src(%dma_wait3A_71 : memref<128x128xf32, #tpu.memory_space<hbm>>) dst(%arg8 : memref<128x128xf32, #tpu.memory_space<vmem>>)
      %mul3A_72 = arith.constant 2 : i32
      %mul3A_73 = arith.muli %mul3A_72, %add3A_65 : i32
      %add3A_74 = arith.constant 1 : i32
      %add3A_75 = arith.addi %mul3A_73, %add3A_74 : i32
      "tpu.region"() ({
        %run_scoped3A = tpu.sem_alloc : memref<!tpu.dma_semaphore, #tpu.memory_space<semaphore_mem>>
        %dma_start3A_83 = arith.constant 0 : i32
        %dma_start3A_84 = tpu.memref_slice %arg6[%add3A_75, %dma_start3A_83] : memref<80x128xi32, #tpu.memory_space<vmem>> -> memref<1x128xi32, #tpu.memory_space<vmem>>
        %dma_start3A_85 = tpu.memref_squeeze %dma_start3A_84 : memref<1x128xi32, #tpu.memory_space<vmem>> -> memref<128xi32, #tpu.memory_space<vmem>>
        %dma_start3A_86 = arith.constant 0 : i32
        %dma_start3A_87 = arith.constant 0 : i32
        %dma_start3A_88 = tpu.memref_slice %arg9[%dma_start3A_86, %dma_start3A_87] : memref<10240x128xf32, #tpu.memory_space<vmem_shared>> -> memref<10240x128xf32, #tpu.memory_space<vmem_shared>>
        tpu.enqueue_indirect_dma source(%arg8 : memref<128x128xf32, #tpu.memory_space<vmem>>) target(%dma_start3A_88 : memref<10240x128xf32, #tpu.memory_space<vmem_shared>>) offsets(%dma_start3A_85 : memref<128xi32, #tpu.memory_space<vmem>>) semaphore(%run_scoped3A : memref<!tpu.dma_semaphore, #tpu.memory_space<semaphore_mem>>) {add = true}
        %dma_wait3A_89 = arith.constant 0 : i32
        %dma_wait3A_90 = tpu.memref_slice %arg6[%add3A_75, %dma_wait3A_89] : memref<80x128xi32, #tpu.memory_space<vmem>> -> memref<1x128xi32, #tpu.memory_space<vmem>>
        %dma_wait3A_91 = tpu.memref_squeeze %dma_wait3A_90 : memref<1x128xi32, #tpu.memory_space<vmem>> -> memref<128xi32, #tpu.memory_space<vmem>>
        %dma_wait3A_92 = arith.constant 0 : i32
        %dma_wait3A_93 = arith.constant 0 : i32
        %dma_wait3A_94 = tpu.memref_slice %arg9[%dma_wait3A_92, %dma_wait3A_93] : memref<10240x128xf32, #tpu.memory_space<vmem_shared>> -> memref<10240x128xf32, #tpu.memory_space<vmem_shared>>
        tpu.wait_indirect_dma semaphore(%run_scoped3A : memref<!tpu.dma_semaphore, #tpu.memory_space<semaphore_mem>>) src(%arg8 : memref<128x128xf32, #tpu.memory_space<vmem>>) dst(%dma_wait3A_94 : memref<10240x128xf32, #tpu.memory_space<vmem_shared>>)
        tpu.yield
      }) : () -> ()
      %add3A_76 = arith.constant 2 : i32
      %add3A_77 = arith.addi %add3A_65, %add3A_76 : i32
      %lt3A_78 = arith.constant 40 : i32
      %lt3A_79 = arith.cmpi slt, %add3A_77, %lt3A_78 : i32
      %convert_element_type3A_80 = arith.extui %lt3A_79 : i1 to i32
      %cond3A_81 = arith.constant 0 : i32
      %cond3A_82 = arith.cmpi ne, %convert_element_type3A_80, %cond3A_81 : i32
      scf.if %cond3A_82 {
        %add3A_83 = arith.constant 2 : i32
        %add3A_84 = arith.addi %add3A_65, %add3A_83 : i32
        %mul3A_85 = arith.constant 2 : i32
        %mul3A_86 = arith.muli %mul3A_85, %add3A_84 : i32
        %dma_start3A_87 = arith.constant 0 : i32
        %dma_start3A_88 = tpu.memref_slice %arg6[%mul3A_86, %dma_start3A_87] : memref<80x128xi32, #tpu.memory_space<vmem>> -> memref<1x128xi32, #tpu.memory_space<vmem>>
        %dma_start3A_89 = tpu.memref_squeeze %dma_start3A_88 : memref<1x128xi32, #tpu.memory_space<vmem>> -> memref<128xi32, #tpu.memory_space<vmem>>
        %dma_start3A_90 = arith.constant 0 : i32
        %dma_start3A_91 = arith.constant 0 : i32
        %dma_start3A_92 = tpu.memref_slice %arg2[%dma_start3A_90, %dma_start3A_91] : memref<10000x128xf32, #tpu.memory_space<hbm>> -> memref<10000x128xf32, #tpu.memory_space<hbm>>
        tpu.enqueue_indirect_dma source(%dma_start3A_92 : memref<10000x128xf32, #tpu.memory_space<hbm>>) target(%arg8 : memref<128x128xf32, #tpu.memory_space<vmem>>) offsets(%dma_start3A_89 : memref<128xi32, #tpu.memory_space<vmem>>) semaphore(%arg11 : memref<!tpu.dma_semaphore, #tpu.memory_space<semaphore_mem>>)
      } else {
      }
    }
    %scan3A_20 = arith.constant 20 : i32
    "tpu.region"() ({
      %run_scoped3A = tpu.sem_alloc : memref<!tpu.dma_semaphore, #tpu.memory_space<semaphore_mem>>
      %dma_start3A_46 = arith.constant 80 : i32
      %dma_start3A_47 = arith.constant 0 : i32
      %dma_start3A_48 = tpu.memref_slice %arg3[%add3A, %dma_start3A_46, %dma_start3A_47] : memref<32x160x128xi32, #tpu.memory_space<hbm>> -> memref<1x80x128xi32, #tpu.memory_space<hbm>>
      %dma_start3A_49 = tpu.memref_squeeze %dma_start3A_48 : memref<1x80x128xi32, #tpu.memory_space<hbm>> -> memref<80x128xi32, #tpu.memory_space<hbm>>
      %dma_start3A_50 = arith.constant 80 : i32
      %dma_start3A_51 = arith.constant 0 : i32
      %dma_start3A_52 = tpu.memref_slice %arg3[%add3A, %dma_start3A_50, %dma_start3A_51] : memref<32x160x128xi32, #tpu.memory_space<hbm>> -> memref<1x80x128xi32, #tpu.memory_space<hbm>>
      %dma_start3A_53 = tpu.memref_squeeze %dma_start3A_52 : memref<1x80x128xi32, #tpu.memory_space<hbm>> -> memref<80x128xi32, #tpu.memory_space<hbm>>
      tpu.enqueue_dma source(%dma_start3A_53 : memref<80x128xi32, #tpu.memory_space<hbm>>) target(%arg6 : memref<80x128xi32, #tpu.memory_space<vmem>>) target_semaphore(%run_scoped3A : memref<!tpu.dma_semaphore, #tpu.memory_space<semaphore_mem>>)
      %dma_wait3A = arith.constant 80 : i32
      %dma_wait3A_54 = arith.constant 0 : i32
      %dma_wait3A_55 = tpu.memref_slice %arg3[%add3A, %dma_wait3A, %dma_wait3A_54] : memref<32x160x128xi32, #tpu.memory_space<hbm>> -> memref<1x80x128xi32, #tpu.memory_space<hbm>>
      %dma_wait3A_56 = tpu.memref_squeeze %dma_wait3A_55 : memref<1x80x128xi32, #tpu.memory_space<hbm>> -> memref<80x128xi32, #tpu.memory_space<hbm>>
      %dma_wait3A_57 = arith.constant 80 : i32
      %dma_wait3A_58 = arith.constant 0 : i32
      %dma_wait3A_59 = tpu.memref_slice %arg3[%add3A, %dma_wait3A_57, %dma_wait3A_58] : memref<32x160x128xi32, #tpu.memory_space<hbm>> -> memref<1x80x128xi32, #tpu.memory_space<hbm>>
      %dma_wait3A_60 = tpu.memref_squeeze %dma_wait3A_59 : memref<1x80x128xi32, #tpu.memory_space<hbm>> -> memref<80x128xi32, #tpu.memory_space<hbm>>
      tpu.wait_dma2 semaphore(%run_scoped3A : memref<!tpu.dma_semaphore, #tpu.memory_space<semaphore_mem>>) src(%dma_wait3A_60 : memref<80x128xi32, #tpu.memory_space<hbm>>) dst(%arg6 : memref<80x128xi32, #tpu.memory_space<vmem>>)
      tpu.yield
    }) : () -> ()
    %dma_start3A_21 = arith.constant 0 : i32
    %dma_start3A_22 = arith.constant 0 : i32
    %dma_start3A_23 = tpu.memref_slice %arg6[%dma_start3A_21, %dma_start3A_22] : memref<80x128xi32, #tpu.memory_space<vmem>> -> memref<1x128xi32, #tpu.memory_space<vmem>>
    %dma_start3A_24 = tpu.memref_squeeze %dma_start3A_23 : memref<1x128xi32, #tpu.memory_space<vmem>> -> memref<128xi32, #tpu.memory_space<vmem>>
    %dma_start3A_25 = arith.constant 0 : i32
    %dma_start3A_26 = arith.constant 0 : i32
    %dma_start3A_27 = tpu.memref_slice %arg2[%dma_start3A_25, %dma_start3A_26] : memref<10000x128xf32, #tpu.memory_space<hbm>> -> memref<10000x128xf32, #tpu.memory_space<hbm>>
    tpu.enqueue_indirect_dma source(%dma_start3A_27 : memref<10000x128xf32, #tpu.memory_space<hbm>>) target(%arg7 : memref<128x128xf32, #tpu.memory_space<vmem>>) offsets(%dma_start3A_24 : memref<128xi32, #tpu.memory_space<vmem>>) semaphore(%arg10 : memref<!tpu.dma_semaphore, #tpu.memory_space<semaphore_mem>>)
    %dma_start3A_28 = arith.constant 2 : i32
    %dma_start3A_29 = arith.constant 0 : i32
    %dma_start3A_30 = tpu.memref_slice %arg6[%dma_start3A_28, %dma_start3A_29] : memref<80x128xi32, #tpu.memory_space<vmem>> -> memref<1x128xi32, #tpu.memory_space<vmem>>
    %dma_start3A_31 = tpu.memref_squeeze %dma_start3A_30 : memref<1x128xi32, #tpu.memory_space<vmem>> -> memref<128xi32, #tpu.memory_space<vmem>>
    %dma_start3A_32 = arith.constant 0 : i32
    %dma_start3A_33 = arith.constant 0 : i32
    %dma_start3A_34 = tpu.memref_slice %arg2[%dma_start3A_32, %dma_start3A_33] : memref<10000x128xf32, #tpu.memory_space<hbm>> -> memref<10000x128xf32, #tpu.memory_space<hbm>>
    tpu.enqueue_indirect_dma source(%dma_start3A_34 : memref<10000x128xf32, #tpu.memory_space<hbm>>) target(%arg8 : memref<128x128xf32, #tpu.memory_space<vmem>>) offsets(%dma_start3A_31 : memref<128xi32, #tpu.memory_space<vmem>>) semaphore(%arg11 : memref<!tpu.dma_semaphore, #tpu.memory_space<semaphore_mem>>)
    %scan3A_35 = arith.constant 0 : i32
    %scan3A_36 = arith.constant 0 : i32
    %scan3A_37 = arith.constant 20 : i32
    %scan3A_38 = arith.addi %scan3A_36, %scan3A_37 : i32
    %scan3A_39 = arith.constant 1 : i32
    scf.for %scan3A_46 = %scan3A_36 to %scan3A_38 step %scan3A_39  : i32 {
      %mul3A_47 = arith.constant 2 : i32
      %mul3A_48 = arith.muli %scan3A_46, %mul3A_47 : i32
      %add3A_49 = arith.constant 0 : i32
      %add3A_50 = arith.addi %mul3A_48, %add3A_49 : i32
      %dma_wait3A = arith.constant 0 : i32
      %dma_wait3A_51 = arith.constant 0 : i32
      %dma_wait3A_52 = tpu.memref_slice %arg2[%dma_wait3A, %dma_wait3A_51] : memref<10000x128xf32, #tpu.memory_space<hbm>> -> memref<128x128xf32, #tpu.memory_space<hbm>>
      %dma_wait3A_53 = arith.constant 0 : i32
      %dma_wait3A_54 = arith.constant 0 : i32
      %dma_wait3A_55 = tpu.memref_slice %arg2[%dma_wait3A_53, %dma_wait3A_54] : memref<10000x128xf32, #tpu.memory_space<hbm>> -> memref<128x128xf32, #tpu.memory_space<hbm>>
      tpu.wait_dma2 semaphore(%arg10 : memref<!tpu.dma_semaphore, #tpu.memory_space<semaphore_mem>>) src(%dma_wait3A_55 : memref<128x128xf32, #tpu.memory_space<hbm>>) dst(%arg7 : memref<128x128xf32, #tpu.memory_space<vmem>>)
      %mul3A_56 = arith.constant 2 : i32
      %mul3A_57 = arith.muli %mul3A_56, %add3A_50 : i32
      %add3A_58 = arith.constant 1 : i32
      %add3A_59 = arith.addi %mul3A_57, %add3A_58 : i32
      "tpu.region"() ({
        %run_scoped3A = tpu.sem_alloc : memref<!tpu.dma_semaphore, #tpu.memory_space<semaphore_mem>>
        %dma_start3A_83 = arith.constant 0 : i32
        %dma_start3A_84 = tpu.memref_slice %arg6[%add3A_59, %dma_start3A_83] : memref<80x128xi32, #tpu.memory_space<vmem>> -> memref<1x128xi32, #tpu.memory_space<vmem>>
        %dma_start3A_85 = tpu.memref_squeeze %dma_start3A_84 : memref<1x128xi32, #tpu.memory_space<vmem>> -> memref<128xi32, #tpu.memory_space<vmem>>
        %dma_start3A_86 = arith.constant 0 : i32
        %dma_start3A_87 = arith.constant 0 : i32
        %dma_start3A_88 = tpu.memref_slice %arg9[%dma_start3A_86, %dma_start3A_87] : memref<10240x128xf32, #tpu.memory_space<vmem_shared>> -> memref<10240x128xf32, #tpu.memory_space<vmem_shared>>
        tpu.enqueue_indirect_dma source(%arg7 : memref<128x128xf32, #tpu.memory_space<vmem>>) target(%dma_start3A_88 : memref<10240x128xf32, #tpu.memory_space<vmem_shared>>) offsets(%dma_start3A_85 : memref<128xi32, #tpu.memory_space<vmem>>) semaphore(%run_scoped3A : memref<!tpu.dma_semaphore, #tpu.memory_space<semaphore_mem>>) {add = true}
        %dma_wait3A_89 = arith.constant 0 : i32
        %dma_wait3A_90 = tpu.memref_slice %arg6[%add3A_59, %dma_wait3A_89] : memref<80x128xi32, #tpu.memory_space<vmem>> -> memref<1x128xi32, #tpu.memory_space<vmem>>
        %dma_wait3A_91 = tpu.memref_squeeze %dma_wait3A_90 : memref<1x128xi32, #tpu.memory_space<vmem>> -> memref<128xi32, #tpu.memory_space<vmem>>
        %dma_wait3A_92 = arith.constant 0 : i32
        %dma_wait3A_93 = arith.constant 0 : i32
        %dma_wait3A_94 = tpu.memref_slice %arg9[%dma_wait3A_92, %dma_wait3A_93] : memref<10240x128xf32, #tpu.memory_space<vmem_shared>> -> memref<10240x128xf32, #tpu.memory_space<vmem_shared>>
        tpu.wait_indirect_dma semaphore(%run_scoped3A : memref<!tpu.dma_semaphore, #tpu.memory_space<semaphore_mem>>) src(%arg7 : memref<128x128xf32, #tpu.memory_space<vmem>>) dst(%dma_wait3A_94 : memref<10240x128xf32, #tpu.memory_space<vmem_shared>>)
        tpu.yield
      }) : () -> ()
      %add3A_60 = arith.constant 2 : i32
      %add3A_61 = arith.addi %add3A_50, %add3A_60 : i32
      %lt3A = arith.constant 40 : i32
      %lt3A_62 = arith.cmpi slt, %add3A_61, %lt3A : i32
      %convert_element_type3A = arith.extui %lt3A_62 : i1 to i32
      %cond3A = arith.constant 0 : i32
      %cond3A_63 = arith.cmpi ne, %convert_element_type3A, %cond3A : i32
      scf.if %cond3A_63 {
        %add3A_83 = arith.constant 2 : i32
        %add3A_84 = arith.addi %add3A_50, %add3A_83 : i32
        %mul3A_85 = arith.constant 2 : i32
        %mul3A_86 = arith.muli %mul3A_85, %add3A_84 : i32
        %dma_start3A_87 = arith.constant 0 : i32
        %dma_start3A_88 = tpu.memref_slice %arg6[%mul3A_86, %dma_start3A_87] : memref<80x128xi32, #tpu.memory_space<vmem>> -> memref<1x128xi32, #tpu.memory_space<vmem>>
        %dma_start3A_89 = tpu.memref_squeeze %dma_start3A_88 : memref<1x128xi32, #tpu.memory_space<vmem>> -> memref<128xi32, #tpu.memory_space<vmem>>
        %dma_start3A_90 = arith.constant 0 : i32
        %dma_start3A_91 = arith.constant 0 : i32
        %dma_start3A_92 = tpu.memref_slice %arg2[%dma_start3A_90, %dma_start3A_91] : memref<10000x128xf32, #tpu.memory_space<hbm>> -> memref<10000x128xf32, #tpu.memory_space<hbm>>
        tpu.enqueue_indirect_dma source(%dma_start3A_92 : memref<10000x128xf32, #tpu.memory_space<hbm>>) target(%arg7 : memref<128x128xf32, #tpu.memory_space<vmem>>) offsets(%dma_start3A_89 : memref<128xi32, #tpu.memory_space<vmem>>) semaphore(%arg10 : memref<!tpu.dma_semaphore, #tpu.memory_space<semaphore_mem>>)
      } else {
      }
      %add3A_64 = arith.constant 1 : i32
      %add3A_65 = arith.addi %mul3A_48, %add3A_64 : i32
      %dma_wait3A_66 = arith.constant 0 : i32
      %dma_wait3A_67 = arith.constant 0 : i32
      %dma_wait3A_68 = tpu.memref_slice %arg2[%dma_wait3A_66, %dma_wait3A_67] : memref<10000x128xf32, #tpu.memory_space<hbm>> -> memref<128x128xf32, #tpu.memory_space<hbm>>
      %dma_wait3A_69 = arith.constant 0 : i32
      %dma_wait3A_70 = arith.constant 0 : i32
      %dma_wait3A_71 = tpu.memref_slice %arg2[%dma_wait3A_69, %dma_wait3A_70] : memref<10000x128xf32, #tpu.memory_space<hbm>> -> memref<128x128xf32, #tpu.memory_space<hbm>>
      tpu.wait_dma2 semaphore(%arg11 : memref<!tpu.dma_semaphore, #tpu.memory_space<semaphore_mem>>) src(%dma_wait3A_71 : memref<128x128xf32, #tpu.memory_space<hbm>>) dst(%arg8 : memref<128x128xf32, #tpu.memory_space<vmem>>)
      %mul3A_72 = arith.constant 2 : i32
      %mul3A_73 = arith.muli %mul3A_72, %add3A_65 : i32
      %add3A_74 = arith.constant 1 : i32
      %add3A_75 = arith.addi %mul3A_73, %add3A_74 : i32
      "tpu.region"() ({
        %run_scoped3A = tpu.sem_alloc : memref<!tpu.dma_semaphore, #tpu.memory_space<semaphore_mem>>
        %dma_start3A_83 = arith.constant 0 : i32
        %dma_start3A_84 = tpu.memref_slice %arg6[%add3A_75, %dma_start3A_83] : memref<80x128xi32, #tpu.memory_space<vmem>> -> memref<1x128xi32, #tpu.memory_space<vmem>>
        %dma_start3A_85 = tpu.memref_squeeze %dma_start3A_84 : memref<1x128xi32, #tpu.memory_space<vmem>> -> memref<128xi32, #tpu.memory_space<vmem>>
        %dma_start3A_86 = arith.constant 0 : i32
        %dma_start3A_87 = arith.constant 0 : i32
        %dma_start3A_88 = tpu.memref_slice %arg9[%dma_start3A_86, %dma_start3A_87] : memref<10240x128xf32, #tpu.memory_space<vmem_shared>> -> memref<10240x128xf32, #tpu.memory_space<vmem_shared>>
        tpu.enqueue_indirect_dma source(%arg8 : memref<128x128xf32, #tpu.memory_space<vmem>>) target(%dma_start3A_88 : memref<10240x128xf32, #tpu.memory_space<vmem_shared>>) offsets(%dma_start3A_85 : memref<128xi32, #tpu.memory_space<vmem>>) semaphore(%run_scoped3A : memref<!tpu.dma_semaphore, #tpu.memory_space<semaphore_mem>>) {add = true}
        %dma_wait3A_89 = arith.constant 0 : i32
        %dma_wait3A_90 = tpu.memref_slice %arg6[%add3A_75, %dma_wait3A_89] : memref<80x128xi32, #tpu.memory_space<vmem>> -> memref<1x128xi32, #tpu.memory_space<vmem>>
        %dma_wait3A_91 = tpu.memref_squeeze %dma_wait3A_90 : memref<1x128xi32, #tpu.memory_space<vmem>> -> memref<128xi32, #tpu.memory_space<vmem>>
        %dma_wait3A_92 = arith.constant 0 : i32
        %dma_wait3A_93 = arith.constant 0 : i32
        %dma_wait3A_94 = tpu.memref_slice %arg9[%dma_wait3A_92, %dma_wait3A_93] : memref<10240x128xf32, #tpu.memory_space<vmem_shared>> -> memref<10240x128xf32, #tpu.memory_space<vmem_shared>>
        tpu.wait_indirect_dma semaphore(%run_scoped3A : memref<!tpu.dma_semaphore, #tpu.memory_space<semaphore_mem>>) src(%arg8 : memref<128x128xf32, #tpu.memory_space<vmem>>) dst(%dma_wait3A_94 : memref<10240x128xf32, #tpu.memory_space<vmem_shared>>)
        tpu.yield
      }) : () -> ()
      %add3A_76 = arith.constant 2 : i32
      %add3A_77 = arith.addi %add3A_65, %add3A_76 : i32
      %lt3A_78 = arith.constant 40 : i32
      %lt3A_79 = arith.cmpi slt, %add3A_77, %lt3A_78 : i32
      %convert_element_type3A_80 = arith.extui %lt3A_79 : i1 to i32
      %cond3A_81 = arith.constant 0 : i32
      %cond3A_82 = arith.cmpi ne, %convert_element_type3A_80, %cond3A_81 : i32
      scf.if %cond3A_82 {
        %add3A_83 = arith.constant 2 : i32
        %add3A_84 = arith.addi %add3A_65, %add3A_83 : i32
        %mul3A_85 = arith.constant 2 : i32
        %mul3A_86 = arith.muli %mul3A_85, %add3A_84 : i32
        %dma_start3A_87 = arith.constant 0 : i32
        %dma_start3A_88 = tpu.memref_slice %arg6[%mul3A_86, %dma_start3A_87] : memref<80x128xi32, #tpu.memory_space<vmem>> -> memref<1x128xi32, #tpu.memory_space<vmem>>
        %dma_start3A_89 = tpu.memref_squeeze %dma_start3A_88 : memref<1x128xi32, #tpu.memory_space<vmem>> -> memref<128xi32, #tpu.memory_space<vmem>>
        %dma_start3A_90 = arith.constant 0 : i32
        %dma_start3A_91 = arith.constant 0 : i32
        %dma_start3A_92 = tpu.memref_slice %arg2[%dma_start3A_90, %dma_start3A_91] : memref<10000x128xf32, #tpu.memory_space<hbm>> -> memref<10000x128xf32, #tpu.memory_space<hbm>>
        tpu.enqueue_indirect_dma source(%dma_start3A_92 : memref<10000x128xf32, #tpu.memory_space<hbm>>) target(%arg8 : memref<128x128xf32, #tpu.memory_space<vmem>>) offsets(%dma_start3A_89 : memref<128xi32, #tpu.memory_space<vmem>>) semaphore(%arg11 : memref<!tpu.dma_semaphore, #tpu.memory_space<semaphore_mem>>)
      } else {
      }
    }
    %scan3A_40 = arith.constant 20 : i32
    %barrier3A_41 = arith.constant 0 : index
    tpu.barrier barrier_id(%barrier3A_41)
    %mul3A_42 = arith.constant 640 : i32
    %mul3A_43 = arith.muli %arg1, %mul3A_42 : i32
    %mul3A_44 = arith.constant 640 : i32
    %mul3A_45 = arith.muli %arg1, %mul3A_44 : i32
    "tpu.region"() ({
      %run_scoped3A = tpu.sem_alloc : memref<!tpu.dma_semaphore, #tpu.memory_space<semaphore_mem>>
      %dma_start3A_46 = arith.constant 0 : i32
      %dma_start3A_47 = tpu.memref_slice %arg5[%arg0, %mul3A_45, %dma_start3A_46] : memref<2x10240x128xf32, #tpu.memory_space<hbm>> -> memref<1x640x128xf32, #tpu.memory_space<hbm>>
      %dma_start3A_48 = tpu.memref_squeeze %dma_start3A_47 : memref<1x640x128xf32, #tpu.memory_space<hbm>> -> memref<640x128xf32, #tpu.memory_space<hbm>>
      %dma_start3A_49 = arith.constant 0 : i32
      %dma_start3A_50 = tpu.memref_slice %arg9[%mul3A_43, %dma_start3A_49] : memref<10240x128xf32, #tpu.memory_space<vmem_shared>> -> memref<640x128xf32, #tpu.memory_space<vmem_shared>>
      tpu.enqueue_dma source(%dma_start3A_50 : memref<640x128xf32, #tpu.memory_space<vmem_shared>>) target(%dma_start3A_48 : memref<640x128xf32, #tpu.memory_space<hbm>>) target_semaphore(%run_scoped3A : memref<!tpu.dma_semaphore, #tpu.memory_space<semaphore_mem>>)
      %dma_wait3A = arith.constant 0 : i32
      %dma_wait3A_51 = tpu.memref_slice %arg5[%arg0, %mul3A_45, %dma_wait3A] : memref<2x10240x128xf32, #tpu.memory_space<hbm>> -> memref<1x640x128xf32, #tpu.memory_space<hbm>>
      %dma_wait3A_52 = tpu.memref_squeeze %dma_wait3A_51 : memref<1x640x128xf32, #tpu.memory_space<hbm>> -> memref<640x128xf32, #tpu.memory_space<hbm>>
      %dma_wait3A_53 = arith.constant 0 : i32
      %dma_wait3A_54 = tpu.memref_slice %arg9[%mul3A_43, %dma_wait3A_53] : memref<10240x128xf32, #tpu.memory_space<vmem_shared>> -> memref<640x128xf32, #tpu.memory_space<vmem_shared>>
      tpu.wait_dma2 semaphore(%run_scoped3A : memref<!tpu.dma_semaphore, #tpu.memory_space<semaphore_mem>>) src(%dma_wait3A_54 : memref<640x128xf32, #tpu.memory_space<vmem_shared>>) dst(%dma_wait3A_52 : memref<640x128xf32, #tpu.memory_space<hbm>>)
      tpu.yield
    }) : () -> ()
    return
  }
}

#map = affine_map<(d0, d1) -> (0, 0, 0, 0)>
#map1 = affine_map<(d0, d1) -> (0, 0)>
#map2 = affine_map<(d0, d1) -> (0, 0, 0)>
module attributes {stable_mosaic.version = 14 : i64} {
  func.func @_sc_degree(%arg0: i32, %arg1: i32, %arg2: memref<2x32x125x80xi32, #tpu.memory_space<hbm>>, %arg3: memref<80x16xf32, #tpu.memory_space<hbm>>, %arg4: memref<640x16xf32, #tpu.memory_space<hbm>>, %arg5: memref<2x10240x16xf32, #tpu.memory_space<hbm>>, %arg6: memref<125x80xi32, #tpu.memory_space<vmem>>, %arg7: memref<80x16xf32, #tpu.memory_space<vmem>>, %arg8: memref<10240x16xf32, #tpu.memory_space<vmem_shared>>) attributes {dimension_semantics = [#tpu.dimension_semantics<core_parallel>, #tpu.dimension_semantics<subcore_parallel>], iteration_bounds = array<i64: 2, 16>, scalar_prefetch = 0 : i64, scratch_operands = 3 : i64, tpu.core_type = #tpu.core_type<sc_vector_subcore>, window_params = [{transform_indices = #map}, {transform_indices = #map1}, {transform_indices = #map1}, {transform_indices = #map2}]} {
    %mul3A = arith.constant 16 : i32
    %mul3A_0 = arith.muli %arg0, %mul3A : i32
    %add3A = arith.addi %mul3A_0, %arg1 : i32
    %run_scoped3A = arith.constant 1 : i32
    "tpu.region"() ({
      %run_scoped3A_13 = tpu.sem_alloc : memref<!tpu.dma_semaphore, #tpu.memory_space<semaphore_mem>>
      %dma_start3A = arith.constant 0 : i32
      %dma_start3A_14 = arith.constant 0 : i32
      %dma_start3A_15 = tpu.memref_slice %arg2[%run_scoped3A, %add3A, %dma_start3A, %dma_start3A_14] : memref<2x32x125x80xi32, #tpu.memory_space<hbm>> -> memref<1x1x125x80xi32, #tpu.memory_space<hbm>>
      %dma_start3A_16 = tpu.memref_squeeze %dma_start3A_15 : memref<1x1x125x80xi32, #tpu.memory_space<hbm>> -> memref<125x80xi32, #tpu.memory_space<hbm>>
      %dma_start3A_17 = arith.constant 0 : i32
      %dma_start3A_18 = arith.constant 0 : i32
      %dma_start3A_19 = tpu.memref_slice %arg2[%run_scoped3A, %add3A, %dma_start3A_17, %dma_start3A_18] : memref<2x32x125x80xi32, #tpu.memory_space<hbm>> -> memref<1x1x125x80xi32, #tpu.memory_space<hbm>>
      %dma_start3A_20 = tpu.memref_squeeze %dma_start3A_19 : memref<1x1x125x80xi32, #tpu.memory_space<hbm>> -> memref<125x80xi32, #tpu.memory_space<hbm>>
      tpu.enqueue_dma source(%dma_start3A_20 : memref<125x80xi32, #tpu.memory_space<hbm>>) target(%arg6 : memref<125x80xi32, #tpu.memory_space<vmem>>) target_semaphore(%run_scoped3A_13 : memref<!tpu.dma_semaphore, #tpu.memory_space<semaphore_mem>>)
      %dma_wait3A = arith.constant 0 : i32
      %dma_wait3A_21 = arith.constant 0 : i32
      %dma_wait3A_22 = tpu.memref_slice %arg2[%run_scoped3A, %add3A, %dma_wait3A, %dma_wait3A_21] : memref<2x32x125x80xi32, #tpu.memory_space<hbm>> -> memref<1x1x125x80xi32, #tpu.memory_space<hbm>>
      %dma_wait3A_23 = tpu.memref_squeeze %dma_wait3A_22 : memref<1x1x125x80xi32, #tpu.memory_space<hbm>> -> memref<125x80xi32, #tpu.memory_space<hbm>>
      %dma_wait3A_24 = arith.constant 0 : i32
      %dma_wait3A_25 = arith.constant 0 : i32
      %dma_wait3A_26 = tpu.memref_slice %arg2[%run_scoped3A, %add3A, %dma_wait3A_24, %dma_wait3A_25] : memref<2x32x125x80xi32, #tpu.memory_space<hbm>> -> memref<1x1x125x80xi32, #tpu.memory_space<hbm>>
      %dma_wait3A_27 = tpu.memref_squeeze %dma_wait3A_26 : memref<1x1x125x80xi32, #tpu.memory_space<hbm>> -> memref<125x80xi32, #tpu.memory_space<hbm>>
      tpu.wait_dma2 semaphore(%run_scoped3A_13 : memref<!tpu.dma_semaphore, #tpu.memory_space<semaphore_mem>>) src(%dma_wait3A_27 : memref<125x80xi32, #tpu.memory_space<hbm>>) dst(%arg6 : memref<125x80xi32, #tpu.memory_space<vmem>>)
      tpu.yield
    }) : () -> ()
    "tpu.region"() ({
      %run_scoped3A_13 = tpu.sem_alloc : memref<!tpu.dma_semaphore, #tpu.memory_space<semaphore_mem>>
      tpu.enqueue_dma source(%arg3 : memref<80x16xf32, #tpu.memory_space<hbm>>) target(%arg7 : memref<80x16xf32, #tpu.memory_space<vmem>>) target_semaphore(%run_scoped3A_13 : memref<!tpu.dma_semaphore, #tpu.memory_space<semaphore_mem>>)
      tpu.wait_dma2 semaphore(%run_scoped3A_13 : memref<!tpu.dma_semaphore, #tpu.memory_space<semaphore_mem>>) src(%arg3 : memref<80x16xf32, #tpu.memory_space<hbm>>) dst(%arg7 : memref<80x16xf32, #tpu.memory_space<vmem>>)
      tpu.yield
    }) : () -> ()
    %mul3A_1 = arith.constant 640 : i32
    %mul3A_2 = arith.muli %arg1, %mul3A_1 : i32
    "tpu.region"() ({
      %run_scoped3A_13 = tpu.sem_alloc : memref<!tpu.dma_semaphore, #tpu.memory_space<semaphore_mem>>
      %dma_start3A = arith.constant 0 : i32
      %dma_start3A_14 = tpu.memref_slice %arg8[%mul3A_2, %dma_start3A] : memref<10240x16xf32, #tpu.memory_space<vmem_shared>> -> memref<640x16xf32, #tpu.memory_space<vmem_shared>>
      tpu.enqueue_dma source(%arg4 : memref<640x16xf32, #tpu.memory_space<hbm>>) target(%dma_start3A_14 : memref<640x16xf32, #tpu.memory_space<vmem_shared>>) target_semaphore(%run_scoped3A_13 : memref<!tpu.dma_semaphore, #tpu.memory_space<semaphore_mem>>)
      %dma_wait3A = arith.constant 0 : i32
      %dma_wait3A_15 = tpu.memref_slice %arg8[%mul3A_2, %dma_wait3A] : memref<10240x16xf32, #tpu.memory_space<vmem_shared>> -> memref<640x16xf32, #tpu.memory_space<vmem_shared>>
      tpu.wait_dma2 semaphore(%run_scoped3A_13 : memref<!tpu.dma_semaphore, #tpu.memory_space<semaphore_mem>>) src(%arg4 : memref<640x16xf32, #tpu.memory_space<hbm>>) dst(%dma_wait3A_15 : memref<640x16xf32, #tpu.memory_space<vmem_shared>>)
      tpu.yield
    }) : () -> ()
    %barrier3A = arith.constant 0 : index
    tpu.barrier barrier_id(%barrier3A)
    %scan3A = arith.constant 0 : i32
    %scan3A_3 = arith.constant 0 : i32
    %scan3A_4 = arith.constant 125 : i32
    %scan3A_5 = arith.addi %scan3A_3, %scan3A_4 : i32
    %scan3A_6 = arith.constant 1 : i32
    scf.for %scan3A_13 = %scan3A_3 to %scan3A_5 step %scan3A_6  : i32 {
      "tpu.region"() ({
        %run_scoped3A_14 = tpu.sem_alloc : memref<!tpu.dma_semaphore, #tpu.memory_space<semaphore_mem>>
        %dma_start3A = arith.constant 0 : i32
        %dma_start3A_15 = tpu.memref_slice %arg6[%scan3A_13, %dma_start3A] : memref<125x80xi32, #tpu.memory_space<vmem>> -> memref<1x80xi32, #tpu.memory_space<vmem>>
        %dma_start3A_16 = tpu.memref_squeeze %dma_start3A_15 : memref<1x80xi32, #tpu.memory_space<vmem>> -> memref<80xi32, #tpu.memory_space<vmem>>
        %dma_start3A_17 = arith.constant 0 : i32
        %dma_start3A_18 = arith.constant 0 : i32
        %dma_start3A_19 = tpu.memref_slice %arg8[%dma_start3A_17, %dma_start3A_18] : memref<10240x16xf32, #tpu.memory_space<vmem_shared>> -> memref<10240x16xf32, #tpu.memory_space<vmem_shared>>
        tpu.enqueue_indirect_dma source(%arg7 : memref<80x16xf32, #tpu.memory_space<vmem>>) target(%dma_start3A_19 : memref<10240x16xf32, #tpu.memory_space<vmem_shared>>) offsets(%dma_start3A_16 : memref<80xi32, #tpu.memory_space<vmem>>) semaphore(%run_scoped3A_14 : memref<!tpu.dma_semaphore, #tpu.memory_space<semaphore_mem>>) {add = true}
        %dma_wait3A = arith.constant 0 : i32
        %dma_wait3A_20 = tpu.memref_slice %arg6[%scan3A_13, %dma_wait3A] : memref<125x80xi32, #tpu.memory_space<vmem>> -> memref<1x80xi32, #tpu.memory_space<vmem>>
        %dma_wait3A_21 = tpu.memref_squeeze %dma_wait3A_20 : memref<1x80xi32, #tpu.memory_space<vmem>> -> memref<80xi32, #tpu.memory_space<vmem>>
        %dma_wait3A_22 = arith.constant 0 : i32
        %dma_wait3A_23 = arith.constant 0 : i32
        %dma_wait3A_24 = tpu.memref_slice %arg8[%dma_wait3A_22, %dma_wait3A_23] : memref<10240x16xf32, #tpu.memory_space<vmem_shared>> -> memref<10240x16xf32, #tpu.memory_space<vmem_shared>>
        tpu.wait_indirect_dma semaphore(%run_scoped3A_14 : memref<!tpu.dma_semaphore, #tpu.memory_space<semaphore_mem>>) src(%arg7 : memref<80x16xf32, #tpu.memory_space<vmem>>) dst(%dma_wait3A_24 : memref<10240x16xf32, #tpu.memory_space<vmem_shared>>)
        tpu.yield
      }) : () -> ()
    }
    %scan3A_7 = arith.constant 125 : i32
    %barrier3A_8 = arith.constant 0 : index
    tpu.barrier barrier_id(%barrier3A_8)
    %mul3A_9 = arith.constant 640 : i32
    %mul3A_10 = arith.muli %arg1, %mul3A_9 : i32
    %mul3A_11 = arith.constant 640 : i32
    %mul3A_12 = arith.muli %arg1, %mul3A_11 : i32
    "tpu.region"() ({
      %run_scoped3A_13 = tpu.sem_alloc : memref<!tpu.dma_semaphore, #tpu.memory_space<semaphore_mem>>
      %dma_start3A = arith.constant 0 : i32
      %dma_start3A_14 = tpu.memref_slice %arg5[%arg0, %mul3A_12, %dma_start3A] : memref<2x10240x16xf32, #tpu.memory_space<hbm>> -> memref<1x640x16xf32, #tpu.memory_space<hbm>>
      %dma_start3A_15 = tpu.memref_squeeze %dma_start3A_14 : memref<1x640x16xf32, #tpu.memory_space<hbm>> -> memref<640x16xf32, #tpu.memory_space<hbm>>
      %dma_start3A_16 = arith.constant 0 : i32
      %dma_start3A_17 = tpu.memref_slice %arg8[%mul3A_10, %dma_start3A_16] : memref<10240x16xf32, #tpu.memory_space<vmem_shared>> -> memref<640x16xf32, #tpu.memory_space<vmem_shared>>
      tpu.enqueue_dma source(%dma_start3A_17 : memref<640x16xf32, #tpu.memory_space<vmem_shared>>) target(%dma_start3A_15 : memref<640x16xf32, #tpu.memory_space<hbm>>) target_semaphore(%run_scoped3A_13 : memref<!tpu.dma_semaphore, #tpu.memory_space<semaphore_mem>>)
      %dma_wait3A = arith.constant 0 : i32
      %dma_wait3A_18 = tpu.memref_slice %arg5[%arg0, %mul3A_12, %dma_wait3A] : memref<2x10240x16xf32, #tpu.memory_space<hbm>> -> memref<1x640x16xf32, #tpu.memory_space<hbm>>
      %dma_wait3A_19 = tpu.memref_squeeze %dma_wait3A_18 : memref<1x640x16xf32, #tpu.memory_space<hbm>> -> memref<640x16xf32, #tpu.memory_space<hbm>>
      %dma_wait3A_20 = arith.constant 0 : i32
      %dma_wait3A_21 = tpu.memref_slice %arg8[%mul3A_10, %dma_wait3A_20] : memref<10240x16xf32, #tpu.memory_space<vmem_shared>> -> memref<640x16xf32, #tpu.memory_space<vmem_shared>>
      tpu.wait_dma2 semaphore(%run_scoped3A_13 : memref<!tpu.dma_semaphore, #tpu.memory_space<semaphore_mem>>) src(%dma_wait3A_21 : memref<640x16xf32, #tpu.memory_space<vmem_shared>>) dst(%dma_wait3A_19 : memref<640x16xf32, #tpu.memory_space<hbm>>)
      tpu.yield
    }) : () -> ()
    return
  }
}

#map = affine_map<(d0, d1) -> (0, 0)>
#map1 = affine_map<(d0, d1) -> (0, 0, 0)>
module attributes {stable_mosaic.version = 14 : i64} {
  func.func @_sc_propagate(%arg0: i32, %arg1: i32, %arg2: memref<10000x128xf32, #tpu.memory_space<hbm>>, %arg3: memref<32x160x128xi32, #tpu.memory_space<hbm>>, %arg4: memref<640x128xf32, #tpu.memory_space<hbm>>, %arg5: memref<2x10240x128xf32, #tpu.memory_space<hbm>>, %arg6: memref<80x128xi32, #tpu.memory_space<vmem>>, %arg7: memref<128x128xf32, #tpu.memory_space<vmem>>, %arg8: memref<128x128xf32, #tpu.memory_space<vmem>>, %arg9: memref<10240x128xf32, #tpu.memory_space<vmem_shared>>, %arg10: memref<!tpu.dma_semaphore, #tpu.memory_space<semaphore_mem>>, %arg11: memref<!tpu.dma_semaphore, #tpu.memory_space<semaphore_mem>>) attributes {dimension_semantics = [#tpu.dimension_semantics<core_parallel>, #tpu.dimension_semantics<subcore_parallel>], iteration_bounds = array<i64: 2, 16>, scalar_prefetch = 0 : i64, scratch_operands = 6 : i64, tpu.core_type = #tpu.core_type<sc_vector_subcore>, window_params = [{transform_indices = #map}, {transform_indices = #map1}, {transform_indices = #map}, {transform_indices = #map1}]} {
    %mul3A = arith.constant 16 : i32
    %mul3A_0 = arith.muli %arg0, %mul3A : i32
    %add3A = arith.addi %mul3A_0, %arg1 : i32
    %mul3A_1 = arith.constant 640 : i32
    %mul3A_2 = arith.muli %arg1, %mul3A_1 : i32
    "tpu.region"() ({
      %run_scoped3A = tpu.sem_alloc : memref<!tpu.dma_semaphore, #tpu.memory_space<semaphore_mem>>
      %dma_start3A_46 = arith.constant 0 : i32
      %dma_start3A_47 = tpu.memref_slice %arg9[%mul3A_2, %dma_start3A_46] : memref<10240x128xf32, #tpu.memory_space<vmem_shared>> -> memref<640x128xf32, #tpu.memory_space<vmem_shared>>
      tpu.enqueue_dma source(%arg4 : memref<640x128xf32, #tpu.memory_space<hbm>>) target(%dma_start3A_47 : memref<640x128xf32, #tpu.memory_space<vmem_shared>>) target_semaphore(%run_scoped3A : memref<!tpu.dma_semaphore, #tpu.memory_space<semaphore_mem>>)
      %dma_wait3A = arith.constant 0 : i32
      %dma_wait3A_48 = tpu.memref_slice %arg9[%mul3A_2, %dma_wait3A] : memref<10240x128xf32, #tpu.memory_space<vmem_shared>> -> memref<640x128xf32, #tpu.memory_space<vmem_shared>>
      tpu.wait_dma2 semaphore(%run_scoped3A : memref<!tpu.dma_semaphore, #tpu.memory_space<semaphore_mem>>) src(%arg4 : memref<640x128xf32, #tpu.memory_space<hbm>>) dst(%dma_wait3A_48 : memref<640x128xf32, #tpu.memory_space<vmem_shared>>)
      tpu.yield
    }) : () -> ()
    %barrier3A = arith.constant 0 : index
    tpu.barrier barrier_id(%barrier3A)
    "tpu.region"() ({
      %run_scoped3A = tpu.sem_alloc : memref<!tpu.dma_semaphore, #tpu.memory_space<semaphore_mem>>
      %dma_start3A_46 = arith.constant 0 : i32
      %dma_start3A_47 = arith.constant 0 : i32
      %dma_start3A_48 = tpu.memref_slice %arg3[%add3A, %dma_start3A_46, %dma_start3A_47] : memref<32x160x128xi32, #tpu.memory_space<hbm>> -> memref<1x80x128xi32, #tpu.memory_space<hbm>>
      %dma_start3A_49 = tpu.memref_squeeze %dma_start3A_48 : memref<1x80x128xi32, #tpu.memory_space<hbm>> -> memref<80x128xi32, #tpu.memory_space<hbm>>
      %dma_start3A_50 = arith.constant 0 : i32
      %dma_start3A_51 = arith.constant 0 : i32
      %dma_start3A_52 = tpu.memref_slice %arg3[%add3A, %dma_start3A_50, %dma_start3A_51] : memref<32x160x128xi32, #tpu.memory_space<hbm>> -> memref<1x80x128xi32, #tpu.memory_space<hbm>>
      %dma_start3A_53 = tpu.memref_squeeze %dma_start3A_52 : memref<1x80x128xi32, #tpu.memory_space<hbm>> -> memref<80x128xi32, #tpu.memory_space<hbm>>
      tpu.enqueue_dma source(%dma_start3A_53 : memref<80x128xi32, #tpu.memory_space<hbm>>) target(%arg6 : memref<80x128xi32, #tpu.memory_space<vmem>>) target_semaphore(%run_scoped3A : memref<!tpu.dma_semaphore, #tpu.memory_space<semaphore_mem>>)
      %dma_wait3A = arith.constant 0 : i32
      %dma_wait3A_54 = arith.constant 0 : i32
      %dma_wait3A_55 = tpu.memref_slice %arg3[%add3A, %dma_wait3A, %dma_wait3A_54] : memref<32x160x128xi32, #tpu.memory_space<hbm>> -> memref<1x80x128xi32, #tpu.memory_space<hbm>>
      %dma_wait3A_56 = tpu.memref_squeeze %dma_wait3A_55 : memref<1x80x128xi32, #tpu.memory_space<hbm>> -> memref<80x128xi32, #tpu.memory_space<hbm>>
      %dma_wait3A_57 = arith.constant 0 : i32
      %dma_wait3A_58 = arith.constant 0 : i32
      %dma_wait3A_59 = tpu.memref_slice %arg3[%add3A, %dma_wait3A_57, %dma_wait3A_58] : memref<32x160x128xi32, #tpu.memory_space<hbm>> -> memref<1x80x128xi32, #tpu.memory_space<hbm>>
      %dma_wait3A_60 = tpu.memref_squeeze %dma_wait3A_59 : memref<1x80x128xi32, #tpu.memory_space<hbm>> -> memref<80x128xi32, #tpu.memory_space<hbm>>
      tpu.wait_dma2 semaphore(%run_scoped3A : memref<!tpu.dma_semaphore, #tpu.memory_space<semaphore_mem>>) src(%dma_wait3A_60 : memref<80x128xi32, #tpu.memory_space<hbm>>) dst(%arg6 : memref<80x128xi32, #tpu.memory_space<vmem>>)
      tpu.yield
    }) : () -> ()
    %dma_start3A = arith.constant 0 : i32
    %dma_start3A_3 = arith.constant 0 : i32
    %dma_start3A_4 = tpu.memref_slice %arg6[%dma_start3A, %dma_start3A_3] : memref<80x128xi32, #tpu.memory_space<vmem>> -> memref<1x128xi32, #tpu.memory_space<vmem>>
    %dma_start3A_5 = tpu.memref_squeeze %dma_start3A_4 : memref<1x128xi32, #tpu.memory_space<vmem>> -> memref<128xi32, #tpu.memory_space<vmem>>
    %dma_start3A_6 = arith.constant 0 : i32
    %dma_start3A_7 = arith.constant 0 : i32
    %dma_start3A_8 = tpu.memref_slice %arg2[%dma_start3A_6, %dma_start3A_7] : memref<10000x128xf32, #tpu.memory_space<hbm>> -> memref<10000x128xf32, #tpu.memory_space<hbm>>
    tpu.enqueue_indirect_dma source(%dma_start3A_8 : memref<10000x128xf32, #tpu.memory_space<hbm>>) target(%arg7 : memref<128x128xf32, #tpu.memory_space<vmem>>) offsets(%dma_start3A_5 : memref<128xi32, #tpu.memory_space<vmem>>) semaphore(%arg10 : memref<!tpu.dma_semaphore, #tpu.memory_space<semaphore_mem>>)
    %dma_start3A_9 = arith.constant 2 : i32
    %dma_start3A_10 = arith.constant 0 : i32
    %dma_start3A_11 = tpu.memref_slice %arg6[%dma_start3A_9, %dma_start3A_10] : memref<80x128xi32, #tpu.memory_space<vmem>> -> memref<1x128xi32, #tpu.memory_space<vmem>>
    %dma_start3A_12 = tpu.memref_squeeze %dma_start3A_11 : memref<1x128xi32, #tpu.memory_space<vmem>> -> memref<128xi32, #tpu.memory_space<vmem>>
    %dma_start3A_13 = arith.constant 0 : i32
    %dma_start3A_14 = arith.constant 0 : i32
    %dma_start3A_15 = tpu.memref_slice %arg2[%dma_start3A_13, %dma_start3A_14] : memref<10000x128xf32, #tpu.memory_space<hbm>> -> memref<10000x128xf32, #tpu.memory_space<hbm>>
    tpu.enqueue_indirect_dma source(%dma_start3A_15 : memref<10000x128xf32, #tpu.memory_space<hbm>>) target(%arg8 : memref<128x128xf32, #tpu.memory_space<vmem>>) offsets(%dma_start3A_12 : memref<128xi32, #tpu.memory_space<vmem>>) semaphore(%arg11 : memref<!tpu.dma_semaphore, #tpu.memory_space<semaphore_mem>>)
    %scan3A = arith.constant 0 : i32
    %scan3A_16 = arith.constant 0 : i32
    %scan3A_17 = arith.constant 20 : i32
    %scan3A_18 = arith.addi %scan3A_16, %scan3A_17 : i32
    %scan3A_19 = arith.constant 1 : i32
    scf.for %scan3A_46 = %scan3A_16 to %scan3A_18 step %scan3A_19  : i32 {
      %mul3A_47 = arith.constant 2 : i32
      %mul3A_48 = arith.muli %scan3A_46, %mul3A_47 : i32
      %add3A_49 = arith.constant 0 : i32
      %add3A_50 = arith.addi %mul3A_48, %add3A_49 : i32
      %dma_wait3A = arith.constant 0 : i32
      %dma_wait3A_51 = arith.constant 0 : i32
      %dma_wait3A_52 = tpu.memref_slice %arg2[%dma_wait3A, %dma_wait3A_51] : memref<10000x128xf32, #tpu.memory_space<hbm>> -> memref<128x128xf32, #tpu.memory_space<hbm>>
      %dma_wait3A_53 = arith.constant 0 : i32
      %dma_wait3A_54 = arith.constant 0 : i32
      %dma_wait3A_55 = tpu.memref_slice %arg2[%dma_wait3A_53, %dma_wait3A_54] : memref<10000x128xf32, #tpu.memory_space<hbm>> -> memref<128x128xf32, #tpu.memory_space<hbm>>
      tpu.wait_dma2 semaphore(%arg10 : memref<!tpu.dma_semaphore, #tpu.memory_space<semaphore_mem>>) src(%dma_wait3A_55 : memref<128x128xf32, #tpu.memory_space<hbm>>) dst(%arg7 : memref<128x128xf32, #tpu.memory_space<vmem>>)
      %mul3A_56 = arith.constant 2 : i32
      %mul3A_57 = arith.muli %mul3A_56, %add3A_50 : i32
      %add3A_58 = arith.constant 1 : i32
      %add3A_59 = arith.addi %mul3A_57, %add3A_58 : i32
      "tpu.region"() ({
        %run_scoped3A = tpu.sem_alloc : memref<!tpu.dma_semaphore, #tpu.memory_space<semaphore_mem>>
        %dma_start3A_83 = arith.constant 0 : i32
        %dma_start3A_84 = tpu.memref_slice %arg6[%add3A_59, %dma_start3A_83] : memref<80x128xi32, #tpu.memory_space<vmem>> -> memref<1x128xi32, #tpu.memory_space<vmem>>
        %dma_start3A_85 = tpu.memref_squeeze %dma_start3A_84 : memref<1x128xi32, #tpu.memory_space<vmem>> -> memref<128xi32, #tpu.memory_space<vmem>>
        %dma_start3A_86 = arith.constant 0 : i32
        %dma_start3A_87 = arith.constant 0 : i32
        %dma_start3A_88 = tpu.memref_slice %arg9[%dma_start3A_86, %dma_start3A_87] : memref<10240x128xf32, #tpu.memory_space<vmem_shared>> -> memref<10240x128xf32, #tpu.memory_space<vmem_shared>>
        tpu.enqueue_indirect_dma source(%arg7 : memref<128x128xf32, #tpu.memory_space<vmem>>) target(%dma_start3A_88 : memref<10240x128xf32, #tpu.memory_space<vmem_shared>>) offsets(%dma_start3A_85 : memref<128xi32, #tpu.memory_space<vmem>>) semaphore(%run_scoped3A : memref<!tpu.dma_semaphore, #tpu.memory_space<semaphore_mem>>) {add = true}
        %dma_wait3A_89 = arith.constant 0 : i32
        %dma_wait3A_90 = tpu.memref_slice %arg6[%add3A_59, %dma_wait3A_89] : memref<80x128xi32, #tpu.memory_space<vmem>> -> memref<1x128xi32, #tpu.memory_space<vmem>>
        %dma_wait3A_91 = tpu.memref_squeeze %dma_wait3A_90 : memref<1x128xi32, #tpu.memory_space<vmem>> -> memref<128xi32, #tpu.memory_space<vmem>>
        %dma_wait3A_92 = arith.constant 0 : i32
        %dma_wait3A_93 = arith.constant 0 : i32
        %dma_wait3A_94 = tpu.memref_slice %arg9[%dma_wait3A_92, %dma_wait3A_93] : memref<10240x128xf32, #tpu.memory_space<vmem_shared>> -> memref<10240x128xf32, #tpu.memory_space<vmem_shared>>
        tpu.wait_indirect_dma semaphore(%run_scoped3A : memref<!tpu.dma_semaphore, #tpu.memory_space<semaphore_mem>>) src(%arg7 : memref<128x128xf32, #tpu.memory_space<vmem>>) dst(%dma_wait3A_94 : memref<10240x128xf32, #tpu.memory_space<vmem_shared>>)
        tpu.yield
      }) : () -> ()
      %add3A_60 = arith.constant 2 : i32
      %add3A_61 = arith.addi %add3A_50, %add3A_60 : i32
      %lt3A = arith.constant 40 : i32
      %lt3A_62 = arith.cmpi slt, %add3A_61, %lt3A : i32
      %convert_element_type3A = arith.extui %lt3A_62 : i1 to i32
      %cond3A = arith.constant 0 : i32
      %cond3A_63 = arith.cmpi ne, %convert_element_type3A, %cond3A : i32
      scf.if %cond3A_63 {
        %add3A_83 = arith.constant 2 : i32
        %add3A_84 = arith.addi %add3A_50, %add3A_83 : i32
        %mul3A_85 = arith.constant 2 : i32
        %mul3A_86 = arith.muli %mul3A_85, %add3A_84 : i32
        %dma_start3A_87 = arith.constant 0 : i32
        %dma_start3A_88 = tpu.memref_slice %arg6[%mul3A_86, %dma_start3A_87] : memref<80x128xi32, #tpu.memory_space<vmem>> -> memref<1x128xi32, #tpu.memory_space<vmem>>
        %dma_start3A_89 = tpu.memref_squeeze %dma_start3A_88 : memref<1x128xi32, #tpu.memory_space<vmem>> -> memref<128xi32, #tpu.memory_space<vmem>>
        %dma_start3A_90 = arith.constant 0 : i32
        %dma_start3A_91 = arith.constant 0 : i32
        %dma_start3A_92 = tpu.memref_slice %arg2[%dma_start3A_90, %dma_start3A_91] : memref<10000x128xf32, #tpu.memory_space<hbm>> -> memref<10000x128xf32, #tpu.memory_space<hbm>>
        tpu.enqueue_indirect_dma source(%dma_start3A_92 : memref<10000x128xf32, #tpu.memory_space<hbm>>) target(%arg7 : memref<128x128xf32, #tpu.memory_space<vmem>>) offsets(%dma_start3A_89 : memref<128xi32, #tpu.memory_space<vmem>>) semaphore(%arg10 : memref<!tpu.dma_semaphore, #tpu.memory_space<semaphore_mem>>)
      } else {
      }
      %add3A_64 = arith.constant 1 : i32
      %add3A_65 = arith.addi %mul3A_48, %add3A_64 : i32
      %dma_wait3A_66 = arith.constant 0 : i32
      %dma_wait3A_67 = arith.constant 0 : i32
      %dma_wait3A_68 = tpu.memref_slice %arg2[%dma_wait3A_66, %dma_wait3A_67] : memref<10000x128xf32, #tpu.memory_space<hbm>> -> memref<128x128xf32, #tpu.memory_space<hbm>>
      %dma_wait3A_69 = arith.constant 0 : i32
      %dma_wait3A_70 = arith.constant 0 : i32
      %dma_wait3A_71 = tpu.memref_slice %arg2[%dma_wait3A_69, %dma_wait3A_70] : memref<10000x128xf32, #tpu.memory_space<hbm>> -> memref<128x128xf32, #tpu.memory_space<hbm>>
      tpu.wait_dma2 semaphore(%arg11 : memref<!tpu.dma_semaphore, #tpu.memory_space<semaphore_mem>>) src(%dma_wait3A_71 : memref<128x128xf32, #tpu.memory_space<hbm>>) dst(%arg8 : memref<128x128xf32, #tpu.memory_space<vmem>>)
      %mul3A_72 = arith.constant 2 : i32
      %mul3A_73 = arith.muli %mul3A_72, %add3A_65 : i32
      %add3A_74 = arith.constant 1 : i32
      %add3A_75 = arith.addi %mul3A_73, %add3A_74 : i32
      "tpu.region"() ({
        %run_scoped3A = tpu.sem_alloc : memref<!tpu.dma_semaphore, #tpu.memory_space<semaphore_mem>>
        %dma_start3A_83 = arith.constant 0 : i32
        %dma_start3A_84 = tpu.memref_slice %arg6[%add3A_75, %dma_start3A_83] : memref<80x128xi32, #tpu.memory_space<vmem>> -> memref<1x128xi32, #tpu.memory_space<vmem>>
        %dma_start3A_85 = tpu.memref_squeeze %dma_start3A_84 : memref<1x128xi32, #tpu.memory_space<vmem>> -> memref<128xi32, #tpu.memory_space<vmem>>
        %dma_start3A_86 = arith.constant 0 : i32
        %dma_start3A_87 = arith.constant 0 : i32
        %dma_start3A_88 = tpu.memref_slice %arg9[%dma_start3A_86, %dma_start3A_87] : memref<10240x128xf32, #tpu.memory_space<vmem_shared>> -> memref<10240x128xf32, #tpu.memory_space<vmem_shared>>
        tpu.enqueue_indirect_dma source(%arg8 : memref<128x128xf32, #tpu.memory_space<vmem>>) target(%dma_start3A_88 : memref<10240x128xf32, #tpu.memory_space<vmem_shared>>) offsets(%dma_start3A_85 : memref<128xi32, #tpu.memory_space<vmem>>) semaphore(%run_scoped3A : memref<!tpu.dma_semaphore, #tpu.memory_space<semaphore_mem>>) {add = true}
        %dma_wait3A_89 = arith.constant 0 : i32
        %dma_wait3A_90 = tpu.memref_slice %arg6[%add3A_75, %dma_wait3A_89] : memref<80x128xi32, #tpu.memory_space<vmem>> -> memref<1x128xi32, #tpu.memory_space<vmem>>
        %dma_wait3A_91 = tpu.memref_squeeze %dma_wait3A_90 : memref<1x128xi32, #tpu.memory_space<vmem>> -> memref<128xi32, #tpu.memory_space<vmem>>
        %dma_wait3A_92 = arith.constant 0 : i32
        %dma_wait3A_93 = arith.constant 0 : i32
        %dma_wait3A_94 = tpu.memref_slice %arg9[%dma_wait3A_92, %dma_wait3A_93] : memref<10240x128xf32, #tpu.memory_space<vmem_shared>> -> memref<10240x128xf32, #tpu.memory_space<vmem_shared>>
        tpu.wait_indirect_dma semaphore(%run_scoped3A : memref<!tpu.dma_semaphore, #tpu.memory_space<semaphore_mem>>) src(%arg8 : memref<128x128xf32, #tpu.memory_space<vmem>>) dst(%dma_wait3A_94 : memref<10240x128xf32, #tpu.memory_space<vmem_shared>>)
        tpu.yield
      }) : () -> ()
      %add3A_76 = arith.constant 2 : i32
      %add3A_77 = arith.addi %add3A_65, %add3A_76 : i32
      %lt3A_78 = arith.constant 40 : i32
      %lt3A_79 = arith.cmpi slt, %add3A_77, %lt3A_78 : i32
      %convert_element_type3A_80 = arith.extui %lt3A_79 : i1 to i32
      %cond3A_81 = arith.constant 0 : i32
      %cond3A_82 = arith.cmpi ne, %convert_element_type3A_80, %cond3A_81 : i32
      scf.if %cond3A_82 {
        %add3A_83 = arith.constant 2 : i32
        %add3A_84 = arith.addi %add3A_65, %add3A_83 : i32
        %mul3A_85 = arith.constant 2 : i32
        %mul3A_86 = arith.muli %mul3A_85, %add3A_84 : i32
        %dma_start3A_87 = arith.constant 0 : i32
        %dma_start3A_88 = tpu.memref_slice %arg6[%mul3A_86, %dma_start3A_87] : memref<80x128xi32, #tpu.memory_space<vmem>> -> memref<1x128xi32, #tpu.memory_space<vmem>>
        %dma_start3A_89 = tpu.memref_squeeze %dma_start3A_88 : memref<1x128xi32, #tpu.memory_space<vmem>> -> memref<128xi32, #tpu.memory_space<vmem>>
        %dma_start3A_90 = arith.constant 0 : i32
        %dma_start3A_91 = arith.constant 0 : i32
        %dma_start3A_92 = tpu.memref_slice %arg2[%dma_start3A_90, %dma_start3A_91] : memref<10000x128xf32, #tpu.memory_space<hbm>> -> memref<10000x128xf32, #tpu.memory_space<hbm>>
        tpu.enqueue_indirect_dma source(%dma_start3A_92 : memref<10000x128xf32, #tpu.memory_space<hbm>>) target(%arg8 : memref<128x128xf32, #tpu.memory_space<vmem>>) offsets(%dma_start3A_89 : memref<128xi32, #tpu.memory_space<vmem>>) semaphore(%arg11 : memref<!tpu.dma_semaphore, #tpu.memory_space<semaphore_mem>>)
      } else {
      }
    }
    %scan3A_20 = arith.constant 20 : i32
    "tpu.region"() ({
      %run_scoped3A = tpu.sem_alloc : memref<!tpu.dma_semaphore, #tpu.memory_space<semaphore_mem>>
      %dma_start3A_46 = arith.constant 80 : i32
      %dma_start3A_47 = arith.constant 0 : i32
      %dma_start3A_48 = tpu.memref_slice %arg3[%add3A, %dma_start3A_46, %dma_start3A_47] : memref<32x160x128xi32, #tpu.memory_space<hbm>> -> memref<1x80x128xi32, #tpu.memory_space<hbm>>
      %dma_start3A_49 = tpu.memref_squeeze %dma_start3A_48 : memref<1x80x128xi32, #tpu.memory_space<hbm>> -> memref<80x128xi32, #tpu.memory_space<hbm>>
      %dma_start3A_50 = arith.constant 80 : i32
      %dma_start3A_51 = arith.constant 0 : i32
      %dma_start3A_52 = tpu.memref_slice %arg3[%add3A, %dma_start3A_50, %dma_start3A_51] : memref<32x160x128xi32, #tpu.memory_space<hbm>> -> memref<1x80x128xi32, #tpu.memory_space<hbm>>
      %dma_start3A_53 = tpu.memref_squeeze %dma_start3A_52 : memref<1x80x128xi32, #tpu.memory_space<hbm>> -> memref<80x128xi32, #tpu.memory_space<hbm>>
      tpu.enqueue_dma source(%dma_start3A_53 : memref<80x128xi32, #tpu.memory_space<hbm>>) target(%arg6 : memref<80x128xi32, #tpu.memory_space<vmem>>) target_semaphore(%run_scoped3A : memref<!tpu.dma_semaphore, #tpu.memory_space<semaphore_mem>>)
      %dma_wait3A = arith.constant 80 : i32
      %dma_wait3A_54 = arith.constant 0 : i32
      %dma_wait3A_55 = tpu.memref_slice %arg3[%add3A, %dma_wait3A, %dma_wait3A_54] : memref<32x160x128xi32, #tpu.memory_space<hbm>> -> memref<1x80x128xi32, #tpu.memory_space<hbm>>
      %dma_wait3A_56 = tpu.memref_squeeze %dma_wait3A_55 : memref<1x80x128xi32, #tpu.memory_space<hbm>> -> memref<80x128xi32, #tpu.memory_space<hbm>>
      %dma_wait3A_57 = arith.constant 80 : i32
      %dma_wait3A_58 = arith.constant 0 : i32
      %dma_wait3A_59 = tpu.memref_slice %arg3[%add3A, %dma_wait3A_57, %dma_wait3A_58] : memref<32x160x128xi32, #tpu.memory_space<hbm>> -> memref<1x80x128xi32, #tpu.memory_space<hbm>>
      %dma_wait3A_60 = tpu.memref_squeeze %dma_wait3A_59 : memref<1x80x128xi32, #tpu.memory_space<hbm>> -> memref<80x128xi32, #tpu.memory_space<hbm>>
      tpu.wait_dma2 semaphore(%run_scoped3A : memref<!tpu.dma_semaphore, #tpu.memory_space<semaphore_mem>>) src(%dma_wait3A_60 : memref<80x128xi32, #tpu.memory_space<hbm>>) dst(%arg6 : memref<80x128xi32, #tpu.memory_space<vmem>>)
      tpu.yield
    }) : () -> ()
    %dma_start3A_21 = arith.constant 0 : i32
    %dma_start3A_22 = arith.constant 0 : i32
    %dma_start3A_23 = tpu.memref_slice %arg6[%dma_start3A_21, %dma_start3A_22] : memref<80x128xi32, #tpu.memory_space<vmem>> -> memref<1x128xi32, #tpu.memory_space<vmem>>
    %dma_start3A_24 = tpu.memref_squeeze %dma_start3A_23 : memref<1x128xi32, #tpu.memory_space<vmem>> -> memref<128xi32, #tpu.memory_space<vmem>>
    %dma_start3A_25 = arith.constant 0 : i32
    %dma_start3A_26 = arith.constant 0 : i32
    %dma_start3A_27 = tpu.memref_slice %arg2[%dma_start3A_25, %dma_start3A_26] : memref<10000x128xf32, #tpu.memory_space<hbm>> -> memref<10000x128xf32, #tpu.memory_space<hbm>>
    tpu.enqueue_indirect_dma source(%dma_start3A_27 : memref<10000x128xf32, #tpu.memory_space<hbm>>) target(%arg7 : memref<128x128xf32, #tpu.memory_space<vmem>>) offsets(%dma_start3A_24 : memref<128xi32, #tpu.memory_space<vmem>>) semaphore(%arg10 : memref<!tpu.dma_semaphore, #tpu.memory_space<semaphore_mem>>)
    %dma_start3A_28 = arith.constant 2 : i32
    %dma_start3A_29 = arith.constant 0 : i32
    %dma_start3A_30 = tpu.memref_slice %arg6[%dma_start3A_28, %dma_start3A_29] : memref<80x128xi32, #tpu.memory_space<vmem>> -> memref<1x128xi32, #tpu.memory_space<vmem>>
    %dma_start3A_31 = tpu.memref_squeeze %dma_start3A_30 : memref<1x128xi32, #tpu.memory_space<vmem>> -> memref<128xi32, #tpu.memory_space<vmem>>
    %dma_start3A_32 = arith.constant 0 : i32
    %dma_start3A_33 = arith.constant 0 : i32
    %dma_start3A_34 = tpu.memref_slice %arg2[%dma_start3A_32, %dma_start3A_33] : memref<10000x128xf32, #tpu.memory_space<hbm>> -> memref<10000x128xf32, #tpu.memory_space<hbm>>
    tpu.enqueue_indirect_dma source(%dma_start3A_34 : memref<10000x128xf32, #tpu.memory_space<hbm>>) target(%arg8 : memref<128x128xf32, #tpu.memory_space<vmem>>) offsets(%dma_start3A_31 : memref<128xi32, #tpu.memory_space<vmem>>) semaphore(%arg11 : memref<!tpu.dma_semaphore, #tpu.memory_space<semaphore_mem>>)
    %scan3A_35 = arith.constant 0 : i32
    %scan3A_36 = arith.constant 0 : i32
    %scan3A_37 = arith.constant 20 : i32
    %scan3A_38 = arith.addi %scan3A_36, %scan3A_37 : i32
    %scan3A_39 = arith.constant 1 : i32
    scf.for %scan3A_46 = %scan3A_36 to %scan3A_38 step %scan3A_39  : i32 {
      %mul3A_47 = arith.constant 2 : i32
      %mul3A_48 = arith.muli %scan3A_46, %mul3A_47 : i32
      %add3A_49 = arith.constant 0 : i32
      %add3A_50 = arith.addi %mul3A_48, %add3A_49 : i32
      %dma_wait3A = arith.constant 0 : i32
      %dma_wait3A_51 = arith.constant 0 : i32
      %dma_wait3A_52 = tpu.memref_slice %arg2[%dma_wait3A, %dma_wait3A_51] : memref<10000x128xf32, #tpu.memory_space<hbm>> -> memref<128x128xf32, #tpu.memory_space<hbm>>
      %dma_wait3A_53 = arith.constant 0 : i32
      %dma_wait3A_54 = arith.constant 0 : i32
      %dma_wait3A_55 = tpu.memref_slice %arg2[%dma_wait3A_53, %dma_wait3A_54] : memref<10000x128xf32, #tpu.memory_space<hbm>> -> memref<128x128xf32, #tpu.memory_space<hbm>>
      tpu.wait_dma2 semaphore(%arg10 : memref<!tpu.dma_semaphore, #tpu.memory_space<semaphore_mem>>) src(%dma_wait3A_55 : memref<128x128xf32, #tpu.memory_space<hbm>>) dst(%arg7 : memref<128x128xf32, #tpu.memory_space<vmem>>)
      %mul3A_56 = arith.constant 2 : i32
      %mul3A_57 = arith.muli %mul3A_56, %add3A_50 : i32
      %add3A_58 = arith.constant 1 : i32
      %add3A_59 = arith.addi %mul3A_57, %add3A_58 : i32
      "tpu.region"() ({
        %run_scoped3A = tpu.sem_alloc : memref<!tpu.dma_semaphore, #tpu.memory_space<semaphore_mem>>
        %dma_start3A_83 = arith.constant 0 : i32
        %dma_start3A_84 = tpu.memref_slice %arg6[%add3A_59, %dma_start3A_83] : memref<80x128xi32, #tpu.memory_space<vmem>> -> memref<1x128xi32, #tpu.memory_space<vmem>>
        %dma_start3A_85 = tpu.memref_squeeze %dma_start3A_84 : memref<1x128xi32, #tpu.memory_space<vmem>> -> memref<128xi32, #tpu.memory_space<vmem>>
        %dma_start3A_86 = arith.constant 0 : i32
        %dma_start3A_87 = arith.constant 0 : i32
        %dma_start3A_88 = tpu.memref_slice %arg9[%dma_start3A_86, %dma_start3A_87] : memref<10240x128xf32, #tpu.memory_space<vmem_shared>> -> memref<10240x128xf32, #tpu.memory_space<vmem_shared>>
        tpu.enqueue_indirect_dma source(%arg7 : memref<128x128xf32, #tpu.memory_space<vmem>>) target(%dma_start3A_88 : memref<10240x128xf32, #tpu.memory_space<vmem_shared>>) offsets(%dma_start3A_85 : memref<128xi32, #tpu.memory_space<vmem>>) semaphore(%run_scoped3A : memref<!tpu.dma_semaphore, #tpu.memory_space<semaphore_mem>>) {add = true}
        %dma_wait3A_89 = arith.constant 0 : i32
        %dma_wait3A_90 = tpu.memref_slice %arg6[%add3A_59, %dma_wait3A_89] : memref<80x128xi32, #tpu.memory_space<vmem>> -> memref<1x128xi32, #tpu.memory_space<vmem>>
        %dma_wait3A_91 = tpu.memref_squeeze %dma_wait3A_90 : memref<1x128xi32, #tpu.memory_space<vmem>> -> memref<128xi32, #tpu.memory_space<vmem>>
        %dma_wait3A_92 = arith.constant 0 : i32
        %dma_wait3A_93 = arith.constant 0 : i32
        %dma_wait3A_94 = tpu.memref_slice %arg9[%dma_wait3A_92, %dma_wait3A_93] : memref<10240x128xf32, #tpu.memory_space<vmem_shared>> -> memref<10240x128xf32, #tpu.memory_space<vmem_shared>>
        tpu.wait_indirect_dma semaphore(%run_scoped3A : memref<!tpu.dma_semaphore, #tpu.memory_space<semaphore_mem>>) src(%arg7 : memref<128x128xf32, #tpu.memory_space<vmem>>) dst(%dma_wait3A_94 : memref<10240x128xf32, #tpu.memory_space<vmem_shared>>)
        tpu.yield
      }) : () -> ()
      %add3A_60 = arith.constant 2 : i32
      %add3A_61 = arith.addi %add3A_50, %add3A_60 : i32
      %lt3A = arith.constant 40 : i32
      %lt3A_62 = arith.cmpi slt, %add3A_61, %lt3A : i32
      %convert_element_type3A = arith.extui %lt3A_62 : i1 to i32
      %cond3A = arith.constant 0 : i32
      %cond3A_63 = arith.cmpi ne, %convert_element_type3A, %cond3A : i32
      scf.if %cond3A_63 {
        %add3A_83 = arith.constant 2 : i32
        %add3A_84 = arith.addi %add3A_50, %add3A_83 : i32
        %mul3A_85 = arith.constant 2 : i32
        %mul3A_86 = arith.muli %mul3A_85, %add3A_84 : i32
        %dma_start3A_87 = arith.constant 0 : i32
        %dma_start3A_88 = tpu.memref_slice %arg6[%mul3A_86, %dma_start3A_87] : memref<80x128xi32, #tpu.memory_space<vmem>> -> memref<1x128xi32, #tpu.memory_space<vmem>>
        %dma_start3A_89 = tpu.memref_squeeze %dma_start3A_88 : memref<1x128xi32, #tpu.memory_space<vmem>> -> memref<128xi32, #tpu.memory_space<vmem>>
        %dma_start3A_90 = arith.constant 0 : i32
        %dma_start3A_91 = arith.constant 0 : i32
        %dma_start3A_92 = tpu.memref_slice %arg2[%dma_start3A_90, %dma_start3A_91] : memref<10000x128xf32, #tpu.memory_space<hbm>> -> memref<10000x128xf32, #tpu.memory_space<hbm>>
        tpu.enqueue_indirect_dma source(%dma_start3A_92 : memref<10000x128xf32, #tpu.memory_space<hbm>>) target(%arg7 : memref<128x128xf32, #tpu.memory_space<vmem>>) offsets(%dma_start3A_89 : memref<128xi32, #tpu.memory_space<vmem>>) semaphore(%arg10 : memref<!tpu.dma_semaphore, #tpu.memory_space<semaphore_mem>>)
      } else {
      }
      %add3A_64 = arith.constant 1 : i32
      %add3A_65 = arith.addi %mul3A_48, %add3A_64 : i32
      %dma_wait3A_66 = arith.constant 0 : i32
      %dma_wait3A_67 = arith.constant 0 : i32
      %dma_wait3A_68 = tpu.memref_slice %arg2[%dma_wait3A_66, %dma_wait3A_67] : memref<10000x128xf32, #tpu.memory_space<hbm>> -> memref<128x128xf32, #tpu.memory_space<hbm>>
      %dma_wait3A_69 = arith.constant 0 : i32
      %dma_wait3A_70 = arith.constant 0 : i32
      %dma_wait3A_71 = tpu.memref_slice %arg2[%dma_wait3A_69, %dma_wait3A_70] : memref<10000x128xf32, #tpu.memory_space<hbm>> -> memref<128x128xf32, #tpu.memory_space<hbm>>
      tpu.wait_dma2 semaphore(%arg11 : memref<!tpu.dma_semaphore, #tpu.memory_space<semaphore_mem>>) src(%dma_wait3A_71 : memref<128x128xf32, #tpu.memory_space<hbm>>) dst(%arg8 : memref<128x128xf32, #tpu.memory_space<vmem>>)
      %mul3A_72 = arith.constant 2 : i32
      %mul3A_73 = arith.muli %mul3A_72, %add3A_65 : i32
      %add3A_74 = arith.constant 1 : i32
      %add3A_75 = arith.addi %mul3A_73, %add3A_74 : i32
      "tpu.region"() ({
        %run_scoped3A = tpu.sem_alloc : memref<!tpu.dma_semaphore, #tpu.memory_space<semaphore_mem>>
        %dma_start3A_83 = arith.constant 0 : i32
        %dma_start3A_84 = tpu.memref_slice %arg6[%add3A_75, %dma_start3A_83] : memref<80x128xi32, #tpu.memory_space<vmem>> -> memref<1x128xi32, #tpu.memory_space<vmem>>
        %dma_start3A_85 = tpu.memref_squeeze %dma_start3A_84 : memref<1x128xi32, #tpu.memory_space<vmem>> -> memref<128xi32, #tpu.memory_space<vmem>>
        %dma_start3A_86 = arith.constant 0 : i32
        %dma_start3A_87 = arith.constant 0 : i32
        %dma_start3A_88 = tpu.memref_slice %arg9[%dma_start3A_86, %dma_start3A_87] : memref<10240x128xf32, #tpu.memory_space<vmem_shared>> -> memref<10240x128xf32, #tpu.memory_space<vmem_shared>>
        tpu.enqueue_indirect_dma source(%arg8 : memref<128x128xf32, #tpu.memory_space<vmem>>) target(%dma_start3A_88 : memref<10240x128xf32, #tpu.memory_space<vmem_shared>>) offsets(%dma_start3A_85 : memref<128xi32, #tpu.memory_space<vmem>>) semaphore(%run_scoped3A : memref<!tpu.dma_semaphore, #tpu.memory_space<semaphore_mem>>) {add = true}
        %dma_wait3A_89 = arith.constant 0 : i32
        %dma_wait3A_90 = tpu.memref_slice %arg6[%add3A_75, %dma_wait3A_89] : memref<80x128xi32, #tpu.memory_space<vmem>> -> memref<1x128xi32, #tpu.memory_space<vmem>>
        %dma_wait3A_91 = tpu.memref_squeeze %dma_wait3A_90 : memref<1x128xi32, #tpu.memory_space<vmem>> -> memref<128xi32, #tpu.memory_space<vmem>>
        %dma_wait3A_92 = arith.constant 0 : i32
        %dma_wait3A_93 = arith.constant 0 : i32
        %dma_wait3A_94 = tpu.memref_slice %arg9[%dma_wait3A_92, %dma_wait3A_93] : memref<10240x128xf32, #tpu.memory_space<vmem_shared>> -> memref<10240x128xf32, #tpu.memory_space<vmem_shared>>
        tpu.wait_indirect_dma semaphore(%run_scoped3A : memref<!tpu.dma_semaphore, #tpu.memory_space<semaphore_mem>>) src(%arg8 : memref<128x128xf32, #tpu.memory_space<vmem>>) dst(%dma_wait3A_94 : memref<10240x128xf32, #tpu.memory_space<vmem_shared>>)
        tpu.yield
      }) : () -> ()
      %add3A_76 = arith.constant 2 : i32
      %add3A_77 = arith.addi %add3A_65, %add3A_76 : i32
      %lt3A_78 = arith.constant 40 : i32
      %lt3A_79 = arith.cmpi slt, %add3A_77, %lt3A_78 : i32
      %convert_element_type3A_80 = arith.extui %lt3A_79 : i1 to i32
      %cond3A_81 = arith.constant 0 : i32
      %cond3A_82 = arith.cmpi ne, %convert_element_type3A_80, %cond3A_81 : i32
      scf.if %cond3A_82 {
        %add3A_83 = arith.constant 2 : i32
        %add3A_84 = arith.addi %add3A_65, %add3A_83 : i32
        %mul3A_85 = arith.constant 2 : i32
        %mul3A_86 = arith.muli %mul3A_85, %add3A_84 : i32
        %dma_start3A_87 = arith.constant 0 : i32
        %dma_start3A_88 = tpu.memref_slice %arg6[%mul3A_86, %dma_start3A_87] : memref<80x128xi32, #tpu.memory_space<vmem>> -> memref<1x128xi32, #tpu.memory_space<vmem>>
        %dma_start3A_89 = tpu.memref_squeeze %dma_start3A_88 : memref<1x128xi32, #tpu.memory_space<vmem>> -> memref<128xi32, #tpu.memory_space<vmem>>
        %dma_start3A_90 = arith.constant 0 : i32
        %dma_start3A_91 = arith.constant 0 : i32
        %dma_start3A_92 = tpu.memref_slice %arg2[%dma_start3A_90, %dma_start3A_91] : memref<10000x128xf32, #tpu.memory_space<hbm>> -> memref<10000x128xf32, #tpu.memory_space<hbm>>
        tpu.enqueue_indirect_dma source(%dma_start3A_92 : memref<10000x128xf32, #tpu.memory_space<hbm>>) target(%arg8 : memref<128x128xf32, #tpu.memory_space<vmem>>) offsets(%dma_start3A_89 : memref<128xi32, #tpu.memory_space<vmem>>) semaphore(%arg11 : memref<!tpu.dma_semaphore, #tpu.memory_space<semaphore_mem>>)
      } else {
      }
    }
    %scan3A_40 = arith.constant 20 : i32
    %barrier3A_41 = arith.constant 0 : index
    tpu.barrier barrier_id(%barrier3A_41)
    %mul3A_42 = arith.constant 640 : i32
    %mul3A_43 = arith.muli %arg1, %mul3A_42 : i32
    %mul3A_44 = arith.constant 640 : i32
    %mul3A_45 = arith.muli %arg1, %mul3A_44 : i32
    "tpu.region"() ({
      %run_scoped3A = tpu.sem_alloc : memref<!tpu.dma_semaphore, #tpu.memory_space<semaphore_mem>>
      %dma_start3A_46 = arith.constant 0 : i32
      %dma_start3A_47 = tpu.memref_slice %arg5[%arg0, %mul3A_45, %dma_start3A_46] : memref<2x10240x128xf32, #tpu.memory_space<hbm>> -> memref<1x640x128xf32, #tpu.memory_space<hbm>>
      %dma_start3A_48 = tpu.memref_squeeze %dma_start3A_47 : memref<1x640x128xf32, #tpu.memory_space<hbm>> -> memref<640x128xf32, #tpu.memory_space<hbm>>
      %dma_start3A_49 = arith.constant 0 : i32
      %dma_start3A_50 = tpu.memref_slice %arg9[%mul3A_43, %dma_start3A_49] : memref<10240x128xf32, #tpu.memory_space<vmem_shared>> -> memref<640x128xf32, #tpu.memory_space<vmem_shared>>
      tpu.enqueue_dma source(%dma_start3A_50 : memref<640x128xf32, #tpu.memory_space<vmem_shared>>) target(%dma_start3A_48 : memref<640x128xf32, #tpu.memory_space<hbm>>) target_semaphore(%run_scoped3A : memref<!tpu.dma_semaphore, #tpu.memory_space<semaphore_mem>>)
      %dma_wait3A = arith.constant 0 : i32
      %dma_wait3A_51 = tpu.memref_slice %arg5[%arg0, %mul3A_45, %dma_wait3A] : memref<2x10240x128xf32, #tpu.memory_space<hbm>> -> memref<1x640x128xf32, #tpu.memory_space<hbm>>
      %dma_wait3A_52 = tpu.memref_squeeze %dma_wait3A_51 : memref<1x640x128xf32, #tpu.memory_space<hbm>> -> memref<640x128xf32, #tpu.memory_space<hbm>>
      %dma_wait3A_53 = arith.constant 0 : i32
      %dma_wait3A_54 = tpu.memref_slice %arg9[%mul3A_43, %dma_wait3A_53] : memref<10240x128xf32, #tpu.memory_space<vmem_shared>> -> memref<640x128xf32, #tpu.memory_space<vmem_shared>>
      tpu.wait_dma2 semaphore(%run_scoped3A : memref<!tpu.dma_semaphore, #tpu.memory_space<semaphore_mem>>) src(%dma_wait3A_54 : memref<640x128xf32, #tpu.memory_space<vmem_shared>>) dst(%dma_wait3A_52 : memref<640x128xf32, #tpu.memory_space<hbm>>)
      tpu.yield
    }) : () -> ()
    return
  }
}

module attributes {stable_mosaic.version = 14 : i64} {
  func.func @_tc_prep_body(%arg0: memref<2x10240x16xf32, #tpu.memory_space<vmem>>, %arg1: memref<10000x128xf32, #tpu.memory_space<vmem>>, %arg2: memref<128x128xf32, #tpu.memory_space<vmem>>, %arg3: memref<10000x128xf32, #tpu.memory_space<vmem>>, %arg4: memref<10000x128xf32, #tpu.memory_space<vmem>>) attributes {dimension_semantics = [], scalar_prefetch = 0 : i64, scratch_operands = 0 : i64, tpu.core_type = #tpu.core_type<tc>} {
    %get3A = arith.constant 0 : index
    %get3A_0 = arith.constant 0 : index
    %get3A_1 = arith.constant 0 : index
    %get3A_2 = vector.load %arg0[%get3A, %get3A_0, %get3A_1] : memref<2x10240x16xf32, #tpu.memory_space<vmem>>, vector<2x10240x16xf32>
    %slice3A = vector.extract_strided_slice %get3A_2 {offsets = [0, 0, 0], sizes = [1, 10000, 1], strides = [1, 1, 1]} : vector<2x10240x16xf32> to vector<1x10000x1xf32>
    %squeeze3A = vector.shape_cast %slice3A : vector<1x10000x1xf32> to vector<10000x1xf32>
    %slice3A_3 = vector.extract_strided_slice %get3A_2 {offsets = [1, 0, 0], sizes = [1, 10000, 1], strides = [1, 1, 1]} : vector<2x10240x16xf32> to vector<1x10000x1xf32>
    %squeeze3A_4 = vector.shape_cast %slice3A_3 : vector<1x10000x1xf32> to vector<10000x1xf32>
    %add3A = arith.addf %squeeze3A, %squeeze3A_4 : vector<10000x1xf32>
    %add3A_5 = arith.constant 1.000000e+00 : f32
    %add3A_6 = vector.broadcast %add3A_5 : f32 to vector<10000x1xf32>
    %add3A_7 = arith.addf %add3A, %add3A_6 : vector<10000x1xf32>
    %rsqrt3A = math.rsqrt %add3A_7 : vector<10000x1xf32>
    %get3A_8 = arith.constant 0 : index
    %get3A_9 = arith.constant 0 : index
    %get3A_10 = vector.load %arg1[%get3A_8, %get3A_9] : memref<10000x128xf32, #tpu.memory_space<vmem>>, vector<10000x128xf32>
    %get3A_11 = arith.constant 0 : index
    %get3A_12 = arith.constant 0 : index
    %get3A_13 = vector.load %arg2[%get3A_11, %get3A_12] : memref<128x128xf32, #tpu.memory_space<vmem>>, vector<128x128xf32>
    %dot_general3A = arith.constant dense<0.000000e+00> : vector<10000x128xf32>
    %dot_general3A_14 = tpu.matmul %get3A_10, %get3A_13, %dot_general3A {dimension_numbers = #tpu.dot_dimension_numbers<[1], [0], [0], [1], [0, 0, 1, 1], [], []>, transpose_lhs_hint = false} : vector<10000x128xf32>, vector<128x128xf32>, vector<10000x128xf32> -> vector<10000x128xf32>
    %mul3A = vector.broadcast %rsqrt3A : vector<10000x1xf32> to vector<10000x128xf32>
    %mul3A_15 = arith.mulf %dot_general3A_14, %mul3A : vector<10000x128xf32>
    %swap3A = arith.constant 0 : index
    %swap3A_16 = arith.constant 0 : index
    %swap3A_17 = vector.load %arg3[%swap3A, %swap3A_16] : memref<10000x128xf32, #tpu.memory_space<vmem>>, vector<10000x128xf32>
    tpu.vector_store %arg3[%swap3A, %swap3A_16], %mul3A_15 {strides = array<i32>} : memref<10000x128xf32, #tpu.memory_space<vmem>>, vector<10000x128xf32>,
    %broadcast_in_dim3A = vector.shape_cast %rsqrt3A : vector<10000x1xf32> to vector<10000x1xf32>
    %broadcast_in_dim3A_18 = vector.broadcast %broadcast_in_dim3A : vector<10000x1xf32> to vector<10000x128xf32>
    %swap3A_19 = arith.constant 0 : index
    %swap3A_20 = arith.constant 0 : index
    %swap3A_21 = vector.load %arg4[%swap3A_19, %swap3A_20] : memref<10000x128xf32, #tpu.memory_space<vmem>>, vector<10000x128xf32>
    tpu.vector_store %arg4[%swap3A_19, %swap3A_20], %broadcast_in_dim3A_18 {strides = array<i32>} : memref<10000x128xf32, #tpu.memory_space<vmem>>, vector<10000x128xf32>,
    return
  }
}

module attributes {stable_mosaic.version = 14 : i64} {
  func.func @_tc_mid_body(%arg0: memref<2x10240x128xf32, #tpu.memory_space<vmem>>, %arg1: memref<10000x128xf32, #tpu.memory_space<vmem>>, %arg2: memref<10000x128xf32, #tpu.memory_space<vmem>>, %arg3: memref<128xf32, #tpu.memory_space<vmem>>, %arg4: memref<128x128xf32, #tpu.memory_space<vmem>>, %arg5: memref<10000x128xf32, #tpu.memory_space<vmem>>) attributes {dimension_semantics = [], scalar_prefetch = 0 : i64, scratch_operands = 0 : i64, tpu.core_type = #tpu.core_type<tc>} {
    %get3A = arith.constant 0 : index
    %get3A_0 = arith.constant 0 : index
    %get3A_1 = arith.constant 0 : index
    %get3A_2 = vector.load %arg0[%get3A, %get3A_0, %get3A_1] : memref<2x10240x128xf32, #tpu.memory_space<vmem>>, vector<1x10000x128xf32>
    %get3A_3 = vector.shape_cast %get3A_2 : vector<1x10000x128xf32> to vector<10000x128xf32>
    %get3A_4 = arith.constant 1 : index
    %get3A_5 = arith.constant 0 : index
    %get3A_6 = arith.constant 0 : index
    %get3A_7 = vector.load %arg0[%get3A_4, %get3A_5, %get3A_6] : memref<2x10240x128xf32, #tpu.memory_space<vmem>>, vector<1x10000x128xf32>
    %get3A_8 = vector.shape_cast %get3A_7 : vector<1x10000x128xf32> to vector<10000x128xf32>
    %add3A = arith.addf %get3A_3, %get3A_8 : vector<10000x128xf32>
    %get3A_9 = arith.constant 0 : index
    %get3A_10 = arith.constant 0 : index
    %get3A_11 = vector.load %arg2[%get3A_9, %get3A_10] : memref<10000x128xf32, #tpu.memory_space<vmem>>, vector<10000x128xf32>
    %get3A_12 = arith.constant 0 : index
    %get3A_13 = arith.constant 0 : index
    %get3A_14 = vector.load %arg1[%get3A_12, %get3A_13] : memref<10000x128xf32, #tpu.memory_space<vmem>>, vector<10000x128xf32>
    %add3A_15 = arith.addf %add3A, %get3A_14 : vector<10000x128xf32>
    %mul3A = arith.mulf %get3A_11, %add3A_15 : vector<10000x128xf32>
    %get3A_16 = arith.constant 0 : index
    %get3A_17 = vector.load %arg3[%get3A_16] : memref<128xf32, #tpu.memory_space<vmem>>, vector<128xf32>
    %broadcast_in_dim3A = vector.shape_cast %get3A_17 : vector<128xf32> to vector<1x128xf32>
    %add3A_18 = vector.broadcast %broadcast_in_dim3A : vector<1x128xf32> to vector<10000x128xf32>
    %add3A_19 = arith.addf %mul3A, %add3A_18 : vector<10000x128xf32>
    %max3A = arith.constant 0.000000e+00 : f32
    %max3A_20 = vector.broadcast %max3A : f32 to vector<10000x128xf32>
    %max3A_21 = arith.maximumf %add3A_19, %max3A_20 : vector<10000x128xf32>
    %get3A_22 = arith.constant 0 : index
    %get3A_23 = arith.constant 0 : index
    %get3A_24 = vector.load %arg4[%get3A_22, %get3A_23] : memref<128x128xf32, #tpu.memory_space<vmem>>, vector<128x128xf32>
    %dot_general3A = arith.constant dense<0.000000e+00> : vector<10000x128xf32>
    %dot_general3A_25 = tpu.matmul %max3A_21, %get3A_24, %dot_general3A {dimension_numbers = #tpu.dot_dimension_numbers<[1], [0], [0], [1], [0, 0, 1, 1], [], []>, transpose_lhs_hint = false} : vector<10000x128xf32>, vector<128x128xf32>, vector<10000x128xf32> -> vector<10000x128xf32>
    %get3A_26 = arith.constant 0 : index
    %get3A_27 = arith.constant 0 : index
    %get3A_28 = vector.load %arg2[%get3A_26, %get3A_27] : memref<10000x128xf32, #tpu.memory_space<vmem>>, vector<10000x128xf32>
    %mul3A_29 = arith.mulf %dot_general3A_25, %get3A_28 : vector<10000x128xf32>
    %swap3A = arith.constant 0 : index
    %swap3A_30 = arith.constant 0 : index
    %swap3A_31 = vector.load %arg5[%swap3A, %swap3A_30] : memref<10000x128xf32, #tpu.memory_space<vmem>>, vector<10000x128xf32>
    tpu.vector_store %arg5[%swap3A, %swap3A_30], %mul3A_29 {strides = array<i32>} : memref<10000x128xf32, #tpu.memory_space<vmem>>, vector<10000x128xf32>,
    return
  }
}

module attributes {stable_mosaic.version = 14 : i64} {
  func.func @_tc_final_body(%arg0: memref<2x10240x128xf32, #tpu.memory_space<vmem>>, %arg1: memref<10000x128xf32, #tpu.memory_space<vmem>>, %arg2: memref<10000x128xf32, #tpu.memory_space<vmem>>, %arg3: memref<128xf32, #tpu.memory_space<vmem>>, %arg4: memref<1x10000xi32, #tpu.memory_space<vmem>>, %arg5: memref<128x128xf32, #tpu.memory_space<vmem>>, %arg6: memref<128xf32, #tpu.memory_space<vmem>>, %arg7: memref<64x128xf32, #tpu.memory_space<vmem>>) attributes {dimension_semantics = [], scalar_prefetch = 0 : i64, scratch_operands = 0 : i64, tpu.core_type = #tpu.core_type<tc>} {
    %get3A = arith.constant 0 : index
    %get3A_0 = arith.constant 0 : index
    %get3A_1 = arith.constant 0 : index
    %get3A_2 = vector.load %arg0[%get3A, %get3A_0, %get3A_1] : memref<2x10240x128xf32, #tpu.memory_space<vmem>>, vector<1x10000x128xf32>
    %get3A_3 = vector.shape_cast %get3A_2 : vector<1x10000x128xf32> to vector<10000x128xf32>
    %get3A_4 = arith.constant 1 : index
    %get3A_5 = arith.constant 0 : index
    %get3A_6 = arith.constant 0 : index
    %get3A_7 = vector.load %arg0[%get3A_4, %get3A_5, %get3A_6] : memref<2x10240x128xf32, #tpu.memory_space<vmem>>, vector<1x10000x128xf32>
    %get3A_8 = vector.shape_cast %get3A_7 : vector<1x10000x128xf32> to vector<10000x128xf32>
    %add3A = arith.addf %get3A_3, %get3A_8 : vector<10000x128xf32>
    %get3A_9 = arith.constant 0 : index
    %get3A_10 = arith.constant 0 : index
    %get3A_11 = vector.load %arg2[%get3A_9, %get3A_10] : memref<10000x128xf32, #tpu.memory_space<vmem>>, vector<10000x128xf32>
    %get3A_12 = arith.constant 0 : index
    %get3A_13 = arith.constant 0 : index
    %get3A_14 = vector.load %arg1[%get3A_12, %get3A_13] : memref<10000x128xf32, #tpu.memory_space<vmem>>, vector<10000x128xf32>
    %add3A_15 = arith.addf %add3A, %get3A_14 : vector<10000x128xf32>
    %mul3A = arith.mulf %get3A_11, %add3A_15 : vector<10000x128xf32>
    %get3A_16 = arith.constant 0 : index
    %get3A_17 = vector.load %arg3[%get3A_16] : memref<128xf32, #tpu.memory_space<vmem>>, vector<128xf32>
    %broadcast_in_dim3A = vector.shape_cast %get3A_17 : vector<128xf32> to vector<1x128xf32>
    %add3A_18 = vector.broadcast %broadcast_in_dim3A : vector<1x128xf32> to vector<10000x128xf32>
    %add3A_19 = arith.addf %mul3A, %add3A_18 : vector<10000x128xf32>
    %iota3A = tpu.iota {dimensions = array<i32: 0>} : vector<64x10000xi32>
    %get3A_20 = arith.constant 0 : index
    %get3A_21 = arith.constant 0 : index
    %get3A_22 = vector.load %arg4[%get3A_20, %get3A_21] : memref<1x10000xi32, #tpu.memory_space<vmem>>, vector<1x10000xi32>
    %eq3A = vector.broadcast %get3A_22 : vector<1x10000xi32> to vector<64x10000xi32>
    %eq3A_23 = arith.cmpi eq, %iota3A, %eq3A : vector<64x10000xi32>
    %convert_element_type3A = arith.extui %eq3A_23 : vector<64x10000xi1> to vector<64x10000xi32>
    %convert_element_type3A_24 = arith.sitofp %convert_element_type3A : vector<64x10000xi32> to vector<64x10000xf32>
    %dot_general3A = arith.constant dense<0.000000e+00> : vector<64x128xf32>
    %dot_general3A_25 = tpu.matmul %convert_element_type3A_24, %add3A_19, %dot_general3A {dimension_numbers = #tpu.dot_dimension_numbers<[1], [0], [0], [1], [0, 0, 1, 1], [], []>, transpose_lhs_hint = false} : vector<64x10000xf32>, vector<10000x128xf32>, vector<64x128xf32> -> vector<64x128xf32>
    %reduce_sum3A = arith.constant dense<0.000000e+00> : vector<64xf32>
    %reduce_sum3A_26 = vector.multi_reduction <add>, %convert_element_type3A_24, %reduce_sum3A [1] : vector<64x10000xf32> to vector<64xf32>
    %broadcast_in_dim3A_27 = vector.shape_cast %reduce_sum3A_26 : vector<64xf32> to vector<64x1xf32>
    %max3A = arith.constant 1.000000e+00 : f32
    %max3A_28 = vector.broadcast %max3A : f32 to vector<64x1xf32>
    %max3A_29 = arith.maximumf %broadcast_in_dim3A_27, %max3A_28 : vector<64x1xf32>
    %div3A = vector.broadcast %max3A_29 : vector<64x1xf32> to vector<64x128xf32>
    %div3A_30 = arith.divf %dot_general3A_25, %div3A : vector<64x128xf32>
    %get3A_31 = arith.constant 0 : index
    %get3A_32 = arith.constant 0 : index
    %get3A_33 = vector.load %arg5[%get3A_31, %get3A_32] : memref<128x128xf32, #tpu.memory_space<vmem>>, vector<128x128xf32>
    %dot_general3A_34 = arith.constant dense<0.000000e+00> : vector<64x128xf32>
    %dot_general3A_35 = tpu.matmul %div3A_30, %get3A_33, %dot_general3A_34 {dimension_numbers = #tpu.dot_dimension_numbers<[1], [0], [0], [1], [0, 0, 1, 1], [], []>, transpose_lhs_hint = false} : vector<64x128xf32>, vector<128x128xf32>, vector<64x128xf32> -> vector<64x128xf32>
    %get3A_36 = arith.constant 0 : index
    %get3A_37 = vector.load %arg6[%get3A_36] : memref<128xf32, #tpu.memory_space<vmem>>, vector<128xf32>
    %broadcast_in_dim3A_38 = vector.shape_cast %get3A_37 : vector<128xf32> to vector<1x128xf32>
    %add3A_39 = vector.broadcast %broadcast_in_dim3A_38 : vector<1x128xf32> to vector<64x128xf32>
    %add3A_40 = arith.addf %dot_general3A_35, %add3A_39 : vector<64x128xf32>
    %swap3A = arith.constant 0 : index
    %swap3A_41 = arith.constant 0 : index
    %swap3A_42 = vector.load %arg7[%swap3A, %swap3A_41] : memref<64x128xf32, #tpu.memory_space<vmem>>, vector<64x128xf32>
    tpu.vector_store %arg7[%swap3A, %swap3A_41], %add3A_40 {strides = array<i32>} : memref<64x128xf32, #tpu.memory_space<vmem>>, vector<64x128xf32>,
    return
  }
}

</mosaic_0001>

<sc_bundles>
// kernel: kernel.11.cloned.1.call-start
scs
__scs_entry_jumppad:
0x0: {  	(pc) =	sbr.rel $0x88, $3  }
0x1: {  	(tag) =	ssettag $0x0;
	lr =	simm.s32 $0x1  }
0x2: {  	[smem:$0x3F98] =	sst lr;
	_ =	strace $0xD0000000  }
0x3: {  	_ = 	snop  }
0x4: {  	_ = 	snop  }
0x5: {  	_ = 	snop  }
0x6: {  	_ = 	snop  }
0x7: {  	_ = 	snop  }
__scs_overlays_trampoline_lowered:
0x8: {  	[smem:$0x3FA7] =	sst s0  }
0x9: {  	[smem:$0x3FA8] =	sst s1  }
0xa: {  	[smem:$0x3FA9] =	sst s2  }
0xb: {  	[smem:$0x3FAA] =	sst s3  }
0xc: {  	[smem:$0x3FAB] =	sst s4  }
0xd: {  	[smem:$0x3FAC] =	sst s5  }
0xe: {  	[smem:$0x3FAD] =	sst s6  }
0xf: {  	[smem:$0x3FAE] =	sst s7  }
0x10: {  	[smem:$0x3FAF] =	sst s8  }
0x11: {  	[smem:$0x3FB0] =	sst s9;
	s0 =	simm.s32 @!p0 $0x0  }
0x12: {  	s1 =	sld [smem:$0x3F96];
	s0 =	simm.s32 @p0 $0x1  }
0x13: {  	[smem:$0x3FB1] =	sst s0;
	s0 =	simm.s32 @!p1 $0x0  }
0x14: {  	s2 =	sld [smem:$0x3F95];
	s0 =	simm.s32 @p1 $0x1  }
0x15: {  	[smem:$0x3FB2] =	sst s0;
	s0 =	simm.s32 @!p2 $0x0  }
0x16: {  	s3 =	sld [smem:$0x3FDB];
	s0 =	simm.s32 @p2 $0x1  }
0x17: {  	s4 =	simm.s32 $0x1BF5;
	[smem:$0x3FB4] =	sst s0  }
0x18: {  	s0 =	sld [smem:$0x3F97];
	_ =	swait.ge [sflag:s4], $0x0  }
0x19: {  	s7 =	sld [smem:$0x3F98]  }
0x1a: {  	s8 =	sadd.s32 $0xFFFFE003, lr  }
0x1b: {  	s9 =	sadd.s32 $0xFFFFFEF7, lr;
	s5 =	simm.s32 $0xFFFFFFFF;
	p2 =	slt.u32 s8, $0xFFFFF086  }
0x1c: {  	p1 =	slt.u32 s9, $0xF7A;
	s5 =	simm.s32 @!p2 $0x0  }
0x1d: {  	s5 =	simm.s32 @p1 $0x1;
	p0 =	seq.s32 s7, s2  }
0x1e: {  	s7 =	smul.u32 @!p0 $0xF7A, s2;
	p2 =	seq.s32 @!p0 s5, $0x0  }
0x1f: {  	s9 =	smul.u32 $0xF7A, s1;
	s8 =	simm.s32 @!p0 $0x1BF5;
	p2 =	por !p2, p0  }
0x20: {  	[sflag:s8] =	ssyncset.s32 @!p0 $0xFFFFF086;
	s6 =	sadd.s32 @!p0 s3, s7;
	s7 =	simm.s32 @!p0 $0x108  }
0x21: {  	s3 =	sadd.s32 s3, s9;
	s6 =	sadd.s32 @!p0 $0x88, s6;
	s7 =	simm.s32 @p2 $0x1082  }
0x22: {  	[simem:s7], [sflag:s8] =	dma.local @!p0 [hbm:s6], $0xF7A  }
0x23: {  	s9 =	sor.u32 $0xD0000000, s2;
	s6 =	simm.s32 $0x108;
	_ =	swait.ge @!p0 [sflag:s8], $0x0  }
0x24: {  	s3 =	sadd.s32 $0x88, s3;
	s6 =	simm.s32 @!p1 $0x1082;
	[sflag:s4] =	ssyncset.s32 $0xFFFFF086  }
0x25: {  	[simem:s6], [sflag:s4] =	dma.local [hbm:s3], $0xF7A  }
0x26: {  	[smem:$0x3F98] =	sst s1;
	(tag) =	ssettag s2;
	_ =	strace s9  }
0x27: {  	s1 =	sld [smem:$0x3FA8]  }
0x28: {  	s2 =	sld [smem:$0x3FA9]  }
0x29: {  	s4 =	sld [smem:$0x3FAB]  }
0x2a: {  	p0 =	seq.s32 s5, $0x0;
	s5 =	sld [smem:$0x3FAC]  }
0x2b: {  	s6 =	sld [smem:$0x3FAD]  }
0x2c: {  	s7 =	sld [smem:$0x3FAE]  }
0x2d: {  	s3 =	simm.s32 $0x108;
	s8 =	sld [smem:$0x3FAF]  }
0x2e: {  	s3 =	simm.s32 @!p0 $0x1082;
	s9 =	sld [smem:$0x3FB0]  }
0x2f: {  	lr =	sadd.s32 s0, s3;
	s0 =	sld [smem:$0x3FA7]  }
0x30: {  	s3 =	sld [smem:$0x3FAA]  }
0x31: {  	[smem:$0x3FB3] =	sst s10  }
0x32: {  	s10 =	sld [smem:$0x3FB1];
	_ =	sdelay $0x3  }
0x33: {  	p0 =	seq.s32 s10, $0x1;
	s10 =	sld [smem:$0x3FB3];
	_ =	sdelay $0x3  }
0x34: {  	[smem:$0x3FB3] =	sst s10  }
0x35: {  	s10 =	sld [smem:$0x3FB2];
	_ =	sdelay $0x3  }
0x36: {  	p1 =	seq.s32 s10, $0x1;
	s10 =	sld [smem:$0x3FB3];
	_ =	sdelay $0x3  }
0x37: {  	[smem:$0x3FB3] =	sst s10  }
0x38: {  	s10 =	sld [smem:$0x3FB4]  }
0x39: {  	_ = 	snop;
	(pc) =	sbr.ind lr, $3  }
0x3a: {  	_ = 	snop  }
0x3b: {  	_ = 	snop  }
0x3c: {  	p2 =	seq.s32 s10, $0x1;
	s10 =	sld [smem:$0x3FB3]  }
0x3d: {  	_ =	shalt  }
0x3e: {  	_ =	shalt  }
0x3f: {  	_ =	shalt  }
0x40: {  	_ =	shalt  }
0x41: {  	_ =	shalt  }
0x42: {  	_ =	shalt  }
0x43: {  	_ =	shalt  }
0x44: {  	_ =	shalt  }
0x45: {  	_ =	shalt  }
0x46: {  	_ =	shalt  }
0x47: {  	_ =	shalt  }
0x48: {  	_ =	shalt  }
0x49: {  	_ =	shalt  }
0x4a: {  	_ =	shalt  }
0x4b: {  	_ =	shalt  }
0x4c: {  	_ =	shalt  }
0x4d: {  	_ =	shalt  }
0x4e: {  	_ =	shalt  }
0x4f: {  	_ =	shalt  }
0x50: {  	_ =	shalt  }
0x51: {  	_ =	shalt  }
0x52: {  	_ =	shalt  }
0x53: {  	_ =	shalt  }
0x54: {  	_ =	shalt  }
0x55: {  	_ =	shalt  }
0x56: {  	_ =	shalt  }
0x57: {  	_ =	shalt  }
0x58: {  	_ =	shalt  }
0x59: {  	_ =	shalt  }
0x5a: {  	_ =	shalt  }
0x5b: {  	_ =	shalt  }
0x5c: {  	_ =	shalt  }
0x5d: {  	_ =	shalt  }
0x5e: {  	_ =	shalt  }
0x5f: {  	_ =	shalt  }
0x60: {  	_ =	shalt  }
0x61: {  	_ =	shalt  }
0x62: {  	_ =	shalt  }
0x63: {  	_ =	shalt  }
0x64: {  	_ =	shalt  }
0x65: {  	_ =	shalt  }
0x66: {  	_ =	shalt  }
0x67: {  	_ =	shalt  }
0x68: {  	_ =	shalt  }
0x69: {  	_ =	shalt  }
0x6a: {  	_ =	shalt  }
0x6b: {  	_ =	shalt  }
0x6c: {  	_ =	shalt  }
0x6d: {  	_ =	shalt  }
0x6e: {  	_ =	shalt  }
0x6f: {  	_ =	shalt  }
0x70: {  	_ =	shalt  }
0x71: {  	_ =	shalt  }
0x72: {  	_ =	shalt  }
0x73: {  	_ =	shalt  }
0x74: {  	_ =	shalt  }
0x75: {  	_ =	shalt  }
0x76: {  	_ =	shalt  }
0x77: {  	_ =	shalt  }
0x78: {  	_ =	shalt  }
0x79: {  	_ =	shalt  }
0x7a: {  	_ =	shalt  }
0x7b: {  	_ =	shalt  }
0x7c: {  	_ =	shalt  }
0x7d: {  	_ =	shalt  }
0x7e: {  	_ =	shalt  }
0x7f: {  	_ =	shalt  }
0x80: {  	_ =	shalt  }
0x81: {  	_ =	shalt  }
0x82: {  	_ =	shalt  }
0x83: {  	_ =	shalt  }
0x84: {  	_ =	shalt  }
0x85: {  	_ =	shalt  }
0x86: {  	_ =	shalt  }
0x87: {  	_ =	shalt  }
.Lfunc_end0:
.L_simem_size_0:
called_computation.1_lowered:
.L_overlay_start_0:
0x88: {  	s2 =	sld [smem:$0x3FD9]  }
0x89: {  	s3 =	sld [smem:$0x3FFE];
	_ =	sdelay $0x1  }
0x8a: {  	s1 =	srdreg.scid  }
0x8b: {  	s0 =	sand.u32 $0x1, s1  }
0x8c: {  	s16 =	sshll.u32 s0, $0xA;
	s2 =	sadd.s32 s3, s2  }
0x8d: {  	s2 =	sadd.s32 s2, s16  }
0x8e: {  	[smem:$0x3FBF] =	sst s2  }
0x8f: {  	_ = 	snop  }
0x90: {  	(tm) =	ssettm $0x1  }
0x91: {  	s17 =	sld [smem:$0x3FFB];
	_ =	sdelay $0x3  }
0x92: {  	_ =	strace s17  }
0x93: {  	s2 =	sld [smem:$0x3FFC];
	_ =	sdelay $0x3  }
0x94: {  	_ =	strace s2  }
0x95: {  	s2 =	sld [smem:$0x3FFD];
	_ =	sdelay $0x3  }
0x96: {  	_ =	strace s2  }
0x97: {  	_ =	strace $0x8FFFFFFF  }
0x98: {  	s18 =	sld [smem:$0x3FDB];
	_ =	sdelay $0x1  }
0x99: {  	s19 =	simm.s32 $_scs_section_size  }
0x9a: {  	s4 =	simm.s32 $_size__tile_overlayer_lowered;
	s5 =	simm.s32 $_tile_overlayer_lowered  }
0x9b: {  	s22 =	simm.s32 $0x1BFF;
	s21 =	sshll.u32 s5, $0x1;
	s2 =	sadd.s32 s19, s18  }
0x9c: {  	s6 =	simm.s32 $0x0;
	s20 =	sshll.u32 s4, $0x1;
	s4 =	sadd.s32 s21, s2  }
0x9d: {  	[timem:s6], [sflag:s22] =	dma.local [hbm:s4], s20  }
0x9e: {  	_ =	swait.ge [sflag:s22], s20  }
0x9f: {  	s3 =	ssub.s32 $0x0, s20;
	[sflag:s22] =	ssyncset.done $0x0  }
0xa0: {  	[sflag:s22] =	ssyncadd.s32 s3;
	_ =	sdelay $0x1  }
0xa1: {  	s23 =	simm.s32 $0x1B8B  }
0xa2: {  	_ =	swait.ge [sflag:s23], $0x1  }
0xa3: {  	[sflag:s23] =	ssyncset.done $0x0  }
0xa4: {  	s25 =	simm.s32 $0x1B8E;
	s24 =	sld [smem:$0x3FFE];
	[sflag:s23] =	ssyncadd.s32 $0xFFFFFFFF  }
0xa5: {  	s26 =	simm.s32 $execute0_lowered;
	[smem:$0x3FD2] =	sst s25  }
0xa6: {  	s4 =	sshll.u32 s26, $0x1;
	_ =	strace $0x80000049;
	[dreg:$0x1] =	wrdreg $0xFFFFFFFF  }
0xa7: {  	s28 =	simm.s32 $_size_execute0_lowered;
	s2 =	sadd.s32 s2, s4;
	[dreg:$0x0] =	wrdreg $0x0  }
0xa8: {  	s4 =	sshll.u32 s28, $0x1;
	[dreg:$0x2] =	wrdreg s2  }
0xa9: {  	[dreg:$0x3] =	wrdreg s4  }
0xaa: {  	[dreg:$0x4] =	wrdreg $0xC0  }
0xab: {  	_ =	task [dreg:s6], $0x5FFFF  }
0xac: {  	[dreg:$0x1] =	wrdreg $0xFFFFFFFF  }
0xad: {  	[dreg:$0x0] =	wrdreg $0x60  }
0xae: {  	[dreg:$0x2] =	wrdreg s24  }
0xaf: {  	[dreg:$0x3] =	wrdreg $0xA8000  }
0xb0: {  	[dreg:$0x4] =	wrdreg $0x9  }
0xb1: {  	_ =	task.clear_ibuf [dreg:s6], $0x5FFFF;
	_ =	strace $0x90000049  }
0xb2: {  	s29 =	simm.s32 $0x9;
	_ =	strace $0x8000004B  }
0xb3: {  	_ =	swait.ge [sflag:s29], $0x1  }
0xb4: {  	[sflag:s29] =	ssyncadd.s32 $0xFFFFFFFF  }
0xb5: {  	_ =	strace $0x9000004B  }
0xb6: {  	_ =	sfence  }
0xb7: {  	s30 =	sld [smem:$0x0];
	_ =	sdelay $0x2  }
0xb8: {  	s31 =	sshll.u32 s1, $0xD;
	s1 =	sshrl.u32 s1, $0x2  }
0xb9: {  	s3 =	sand.u32 $0x4000, s31;
	s1 =	sadd.s32 s1, s30  }
0xba: {  	s0 =	sor.u32 s3, s0;
	s1 =	sshll.u32 s1, $0x11  }
0xbb: {  	s0 =	sor.u32 s1, s0  }
0xbc: {  	s0 =	sadd.s32 $0x8F2B, s0  }
0xbd: {  	[sflag:s0] =	ssyncadd.remote.s32 $0x1  }
0xbe: {  	_ =	sfence.sel $0xFFFF  }
0xbf: {  	[dreg:$0x0] =	wrdreg $0xFFFFFFFF;
	(pc) =	sbr.abs _section_cstart, $3  }
0xc0: {  	[dreg:$0x1] =	wrdreg $0xFFFFFFFF  }
0xc1: {  	_ =	task.clear_ibuf [dreg:s6], $0x2FFFF;
	_ =	strace $0x9FFFFFFF  }
0xc2: {  	(tm) =	ssettm $0x7FFFFFFF  }
0xc3: {  	_ =	shalt  }
tec
execute0_lowered:
.L_overlay_start_1:
0x0: {  	(tag) =	ssettag $0x1  }
0x1: {  	s0 =	srdreg.scid;
	s7 =	rddreg [dreg:$0x0]  }
0x2: {  	s2 =	rddreg [dreg:$0x1];
	s3 =	simm.s32 $0x0;
	s14 =	simm.s32 $0x2800  }
0x3: {  	s15 =	simm.s32 $0x100;
	s16 =	simm.s32 $0x6800;
	s17 =	simm.s32 $0x1  }
0x4: {  	s18 =	simm.s32 $0x2;
	s19 =	simm.s32 $0x2680;
	s6 =	sand.u32 $0x1, s0  }
0x5: {  	s20 =	simm.s32 $0x2780;
	s0 =	stileid.u32;
	s8 =	smul.u32 $0x140000, s6  }
0x6: {  	s21 =	simm.s32 $0x0;
	[smem:$0x7FF] =	sst s3;
	s9 =	smul.u32 $0x14000, s0  }
0x7: {  	s4 =	sadd.s32 $0x2E00, s7;
	s1 =	sshll.u32 s6, $0x4;
	s10 =	smul.u32 $0x50000, s0  }
0x8: {  	s6 =	ssub.s32 $0x2, s6;
	s31 =	sshll.u32 s0, $0x6;
	s1 =	sor.u32 s0, s1  }
0x9: {  	s29 =	sshrl.u32 s6, $0x1;
	s5 =	smul.u32 $0x5000, s1;
	s1 =	rddreg [dreg:$0x2]  }
0xa: {  	_ =	strace $0x8000004A;
	s8 =	sadd.s32 s9, s8;
	s30 =	sshrl.u32 s10, $0x2  }
0xb: {  	s12 =	ssub.s32 s6, s29;
	s6 =	sor.u32 $0x1C03, s31;
	s8 =	sshrl.u32 s8, $0x3  }
0xc: {  	s13 =	sadd.s32 s30, s2;
	s10 =	smax.u32 s12, $0x1;
	s5 =	sshrl.u32 s5, $0x3  }
0xd: {  	s12 =	simm.s32 $0x3;
	s11 =	sadd.s32 s8, s7;
	s28 =	sadd.s32 s5, s7  }
0xe: {  	s5 =	sadd.s32 $0x2A000, s7;
	s9 =	sadd.s32 $0x89C00, s11;
	s11 =	sshrl.u32 s13, $0x3  }
0xf: {  	s13 =	simm.s32 $0x80;
	s7 =	sadd.s32 $0x75C00, s28;
	s8 =	sadd.s32 $0x76100, s28  }
.LBB2_1:
0x10: {  	[spmem:s11], [sflag:s6] =	dma.local [hbm:s5], $0x2800  }
0x11: {  	_ =	swait.ge [sflag:s12], $0x2800  }
0x12: {  	[sflag:s12] =	ssyncset.done $0x0  }
0x13: {  	[sflag:s12] =	ssyncadd.s32 $0xFFFFD800  }
0x14: {  	[bflag:$0x0] =	sbarrier.arrive $0xFFFF  }
0x15: {  	[tilespmem:s3], [sflag:$0x3] =	stream.linear.gather [hbm4b:s7+s3], $0x2800, $0x38;
	[tilespmem:$0x1E800] =	vst v63  }
0x16: {  	_ =	swait.ge [sflag:s12], $0x2800  }
0x17: {  	[sflag:s12] =	ssyncset.done $0x0  }
0x18: {  	[sflag:s12] =	ssyncadd.s32 $0xFFFFD800  }
0x19: {  	[tilespmem:s14], [sflag:$0x1] =	stream.indirect.gather [hbm4b:s4+s13], $0x80, s3, s13, $0xb8;
	[tilespmem:$0x1E800] =	vst v63  }
0x1a: {  	_ = 	snop  }
0x1b: {  	[tilespmem:s16], [sflag:$0x2] =	stream.indirect.gather [hbm4b:s4+s13], $0x80, s15, s13, $0xb8;
	[tilespmem:$0x1E800] =	vst v63  }
0x1c: {  	_ =	swait.ge [sflag:s17], $0x4000  }
0x1d: {  	[sflag:s17] =	ssyncset.done $0x0  }
0x1e: {  	s22 =	simm.s32 $0x80;
	[sflag:s17] =	ssyncadd.s32 $0xFFFFC000  }
0x1f: {  	[spmem:s2] =	stream.indirect.scatter.add.f32 [tilespmem:s14], [sflag:$0x3], $0x80, s22, s13, $0xb8;
	[tilespmem:$0x1E800] =	vst v63  }
0x20: {  	_ =	swait.ge [sflag:s12], $0x4000  }
0x21: {  	[sflag:s12] =	ssyncset.done $0x0  }
0x22: {  	s30 =	simm.s32 $0x200;
	[sflag:s12] =	ssyncadd.s32 $0xFFFFC000  }
0x23: {  	[tilespmem:s14], [sflag:$0x1] =	stream.indirect.gather [hbm4b:s4+s13], $0x80, s30, s13, $0xb8;
	[tilespmem:$0x1E800] =	vst v63  }
0x24: {  	_ =	swait.ge [sflag:s18], $0x4000  }
0x25: {  	[sflag:s18] =	ssyncset.done $0x0  }
0x26: {  	s31 =	simm.s32 $0x180;
	[sflag:s18] =	ssyncadd.s32 $0xFFFFC000  }
0x27: {  	[spmem:s2] =	stream.indirect.scatter.add.f32 [tilespmem:s16], [sflag:$0x3], $0x80, s31, s13, $0xb8;
	[tilespmem:$0x1E800] =	vst v63  }
0x28: {  	_ =	swait.ge [sflag:s12], $0x4000  }
0x29: {  	[sflag:s12] =	ssyncset.done $0x0  }
0x2a: {  	s23 =	simm.s32 $0x300;
	s22 =	simm.s32 $0xFFFF7000;
	[sflag:s12] =	ssyncadd.s32 $0xFFFFC000  }
.LBB2_2:
0x2b: {  	[tilespmem:s16], [sflag:$0x2] =	stream.indirect.gather [hbm4b:s4+s13], $0x80, s23, s13, $0xb8;
	[tilespmem:$0x1E800] =	vst v63  }
0x2c: {  	s23 =	smov.u32 s22  }
0x2d: {  	p0 =	sne.s32 s22, $0xFFFFF800;
	s22 =	sadd.s32 $0x800, s22;
	_ =	swait.ge [sflag:s17], $0x4000  }
0x2e: {  	s23 =	sshra.s32 s23, $0x2;
	[sflag:s17] =	ssyncset.done $0x0  }
0x2f: {  	s24 =	sadd.s32 $0x2680, s23;
	[sflag:s17] =	ssyncadd.s32 $0xFFFFC000  }
0x30: {  	[spmem:s2] =	stream.indirect.scatter.add.f32 [tilespmem:s14], [sflag:$0x3], $0x80, s24, s13, $0xb8;
	[tilespmem:$0x1E800] =	vst v63  }
0x31: {  	_ =	swait.ge [sflag:s12], $0x4000  }
0x32: {  	[sflag:s12] =	ssyncset.done $0x0  }
0x33: {  	s24 =	sadd.s32 $0x2800, s23;
	[sflag:s12] =	ssyncadd.s32 $0xFFFFC000  }
0x34: {  	[tilespmem:s14], [sflag:$0x1] =	stream.indirect.gather [hbm4b:s4+s13], $0x80, s24, s13, $0xb8;
	[tilespmem:$0x1E800] =	vst v63  }
0x35: {  	_ =	swait.ge [sflag:s18], $0x4000  }
0x36: {  	[sflag:s18] =	ssyncset.done $0x0  }
.Ltmp0:
0x37: {  	s24 =	sadd.s32 $0x2780, s23;
	[sflag:s18] =	ssyncadd.s32 $0xFFFFC000;
	(pc) =	sbr.rel @p0 .LBB2_2-.Ltmp0, $4  }
0x38: {  	[spmem:s2] =	stream.indirect.scatter.add.f32 [tilespmem:s16], [sflag:$0x3], $0x80, s24, s13, $0xb8;
	[tilespmem:$0x1E800] =	vst v63  }
0x39: {  	_ =	swait.ge [sflag:s12], $0x4000  }
0x3a: {  	[sflag:s12] =	ssyncset.done $0x0  }
0x3b: {  	s23 =	sadd.s32 $0x2900, s23;
	[sflag:s12] =	ssyncadd.s32 $0xFFFFC000  }
0x3c: {  	[tilespmem:s16], [sflag:$0x2] =	stream.indirect.gather [hbm4b:s4+s13], $0x80, s23, s13, $0xb8;
	[tilespmem:$0x1E800] =	vst v63  }
0x3d: {  	_ =	swait.ge [sflag:s17], $0x4000  }
0x3e: {  	[sflag:s17] =	ssyncset.done $0x0  }
0x3f: {  	[sflag:s17] =	ssyncadd.s32 $0xFFFFC000  }
0x40: {  	[spmem:s2] =	stream.indirect.scatter.add.f32 [tilespmem:s14], [sflag:$0x3], $0x80, s19, s13, $0xb8;
	[tilespmem:$0x1E800] =	vst v63  }
0x41: {  	_ =	swait.ge [sflag:s12], $0x4000  }
0x42: {  	[sflag:s12] =	ssyncset.done $0x0  }
0x43: {  	[sflag:s12] =	ssyncadd.s32 $0xFFFFC000  }
0x44: {  	_ =	swait.ge [sflag:s18], $0x4000  }
0x45: {  	[sflag:s18] =	ssyncset.done $0x0  }
0x46: {  	[sflag:s18] =	ssyncadd.s32 $0xFFFFC000  }
0x47: {  	[spmem:s2] =	stream.indirect.scatter.add.f32 [tilespmem:s16], [sflag:$0x3], $0x80, s20, s13, $0xb8;
	[tilespmem:$0x1E800] =	vst v63  }
0x48: {  	_ =	swait.ge [sflag:s12], $0x4000  }
0x49: {  	[sflag:s12] =	ssyncset.done $0x0  }
0x4a: {  	[sflag:s12] =	ssyncadd.s32 $0xFFFFC000  }
0x4b: {  	[tilespmem:s3], [sflag:$0x3] =	stream.linear.gather [hbm4b:s8+s3], $0x2800, $0x38;
	[tilespmem:$0x1E800] =	vst v63  }
0x4c: {  	_ =	swait.ge [sflag:s12], $0x2800  }
0x4d: {  	[sflag:s12] =	ssyncset.done $0x0  }
0x4e: {  	[sflag:s12] =	ssyncadd.s32 $0xFFFFD800  }
0x4f: {  	[tilespmem:s14], [sflag:$0x1] =	stream.indirect.gather [hbm4b:s4+s13], $0x80, s3, s13, $0xb8;
	[tilespmem:$0x1E800] =	vst v63  }
0x50: {  	_ = 	snop  }
0x51: {  	[tilespmem:s16], [sflag:$0x2] =	stream.indirect.gather [hbm4b:s4+s13], $0x80, s15, s13, $0xb8;
	[tilespmem:$0x1E800] =	vst v63  }
0x52: {  	_ =	swait.ge [sflag:s17], $0x4000  }
0x53: {  	[sflag:s17] =	ssyncset.done $0x0  }
0x54: {  	s22 =	simm.s32 $0x80;
	[sflag:s17] =	ssyncadd.s32 $0xFFFFC000  }
0x55: {  	[spmem:s2] =	stream.indirect.scatter.add.f32 [tilespmem:s14], [sflag:$0x3], $0x80, s22, s13, $0xb8;
	[tilespmem:$0x1E800] =	vst v63  }
0x56: {  	_ =	swait.ge [sflag:s12], $0x4000  }
0x57: {  	[sflag:s12] =	ssyncset.done $0x0  }
0x58: {  	s30 =	simm.s32 $0x200;
	[sflag:s12] =	ssyncadd.s32 $0xFFFFC000  }
0x59: {  	[tilespmem:s14], [sflag:$0x1] =	stream.indirect.gather [hbm4b:s4+s13], $0x80, s30, s13, $0xb8;
	[tilespmem:$0x1E800] =	vst v63  }
0x5a: {  	_ =	swait.ge [sflag:s18], $0x4000  }
0x5b: {  	[sflag:s18] =	ssyncset.done $0x0  }
0x5c: {  	s31 =	simm.s32 $0x180;
	[sflag:s18] =	ssyncadd.s32 $0xFFFFC000  }
0x5d: {  	[spmem:s2] =	stream.indirect.scatter.add.f32 [tilespmem:s16], [sflag:$0x3], $0x80, s31, s13, $0xb8;
	[tilespmem:$0x1E800] =	vst v63  }
0x5e: {  	_ =	swait.ge [sflag:s12], $0x4000  }
0x5f: {  	[sflag:s12] =	ssyncset.done $0x0  }
0x60: {  	s23 =	simm.s32 $0x300;
	s22 =	simm.s32 $0xFFFF7000;
	[sflag:s12] =	ssyncadd.s32 $0xFFFFC000  }
.LBB2_4:
0x61: {  	[tilespmem:s16], [sflag:$0x2] =	stream.indirect.gather [hbm4b:s4+s13], $0x80, s23, s13, $0xb8;
	[tilespmem:$0x1E800] =	vst v63  }
0x62: {  	s23 =	smov.u32 s22  }
0x63: {  	p0 =	sne.s32 s22, $0xFFFFF800;
	s22 =	sadd.s32 $0x800, s22;
	_ =	swait.ge [sflag:s17], $0x4000  }
0x64: {  	s23 =	sshra.s32 s23, $0x2;
	[sflag:s17] =	ssyncset.done $0x0  }
0x65: {  	s24 =	sadd.s32 $0x2680, s23;
	[sflag:s17] =	ssyncadd.s32 $0xFFFFC000  }
0x66: {  	[spmem:s2] =	stream.indirect.scatter.add.f32 [tilespmem:s14], [sflag:$0x3], $0x80, s24, s13, $0xb8;
	[tilespmem:$0x1E800] =	vst v63  }
0x67: {  	_ =	swait.ge [sflag:s12], $0x4000  }
0x68: {  	[sflag:s12] =	ssyncset.done $0x0  }
0x69: {  	s24 =	sadd.s32 $0x2800, s23;
	[sflag:s12] =	ssyncadd.s32 $0xFFFFC000  }
0x6a: {  	[tilespmem:s14], [sflag:$0x1] =	stream.indirect.gather [hbm4b:s4+s13], $0x80, s24, s13, $0xb8;
	[tilespmem:$0x1E800] =	vst v63  }
0x6b: {  	_ =	swait.ge [sflag:s18], $0x4000  }
0x6c: {  	[sflag:s18] =	ssyncset.done $0x0  }
.Ltmp1:
0x6d: {  	s24 =	sadd.s32 $0x2780, s23;
	[sflag:s18] =	ssyncadd.s32 $0xFFFFC000;
	(pc) =	sbr.rel @p0 .LBB2_4-.Ltmp1, $4  }
0x6e: {  	[spmem:s2] =	stream.indirect.scatter.add.f32 [tilespmem:s16], [sflag:$0x3], $0x80, s24, s13, $0xb8;
	[tilespmem:$0x1E800] =	vst v63  }
0x6f: {  	_ =	swait.ge [sflag:s12], $0x4000  }
0x70: {  	[sflag:s12] =	ssyncset.done $0x0  }
0x71: {  	s23 =	sadd.s32 $0x2900, s23;
	[sflag:s12] =	ssyncadd.s32 $0xFFFFC000  }
0x72: {  	[tilespmem:s16], [sflag:$0x2] =	stream.indirect.gather [hbm4b:s4+s13], $0x80, s23, s13, $0xb8;
	[tilespmem:$0x1E800] =	vst v63  }
0x73: {  	_ =	swait.ge [sflag:s17], $0x4000  }
0x74: {  	[sflag:s17] =	ssyncset.done $0x0  }
0x75: {  	[sflag:s17] =	ssyncadd.s32 $0xFFFFC000  }
0x76: {  	[spmem:s2] =	stream.indirect.scatter.add.f32 [tilespmem:s14], [sflag:$0x3], $0x80, s19, s13, $0xb8;
	[tilespmem:$0x1E800] =	vst v63  }
0x77: {  	_ =	swait.ge [sflag:s12], $0x4000  }
0x78: {  	[sflag:s12] =	ssyncset.done $0x0  }
0x79: {  	[sflag:s12] =	ssyncadd.s32 $0xFFFFC000  }
0x7a: {  	_ =	swait.ge [sflag:s18], $0x4000  }
0x7b: {  	[sflag:s18] =	ssyncset.done $0x0  }
0x7c: {  	[sflag:s18] =	ssyncadd.s32 $0xFFFFC000  }
0x7d: {  	[spmem:s2] =	stream.indirect.scatter.add.f32 [tilespmem:s16], [sflag:$0x3], $0x80, s20, s13, $0xb8;
	[tilespmem:$0x1E800] =	vst v63  }
0x7e: {  	_ =	swait.ge [sflag:s12], $0x4000  }
0x7f: {  	s21 =	sadd.s32 $0x1, s21;
	[sflag:s12] =	ssyncset.done $0x0  }
0x80: {  	p0 =	sne.s32 s21, s10;
	[sflag:s12] =	ssyncadd.s32 $0xFFFFC000  }
.Ltmp2:
0x81: {  	[bflag:$0x0] =	sbarrier.arrive $0xFFFF;
	(pc) =	sbr.rel @p0 .LBB2_1-.Ltmp2, $4  }
0x82: {  	[hbm:s9], [sflag:s6] =	dma.local [spmem:s11], $0x2800  }
0x83: {  	_ =	swait.ge [sflag:s12], $0x2800  }
0x84: {  	[sflag:s12] =	ssyncset.done $0x0  }
0x85: {  	[sflag:s12] =	ssyncadd.s32 $0xFFFFD800  }
0x86: {  	_ =	sfence.sel $0x180000  }
0x87: {  	[bflag:$0x0] =	sbarrier.arrive $0xFFFF  }
0x88: {  	p0 =	sne.s32 s0, $0x0;
	_ =	strace $0x9000004A  }
0x89: {  	s0 =	sadd.s32 @!p0 $0x100000, s1;
	[bflag:$0x2] =	sbarrier.arrive $0xFFFF  }
0x8a: {  	[sflag:s0] =	ssyncadd.tile.s32 @!p0 $0x1;
	_ =	shalt  }
.Lfunc_end2:
_tile_overlayer_lowered:
.L_overlay_start_2:
0x8b: {  	(tag) =	ssettag $0x2  }
0x8c: {  	s0 =	rddreg [dreg:$0x0];
	s2 =	stileid.u32  }
0x8d: {  	s1 =	rddreg [dreg:$0x1];
	p0 =	sne.s32 s2, $0x0  }
0x8e: {  	s3 =	rddreg [dreg:$0x2];
	[bflag:$0x3] =	sbarrier.arrive $0xFFFF;
	s2 =	simm.s32 @!p0 $0x1C03  }
0x8f: {  	[timem:s3], [sflag:s2] =	dma.local @!p0 [hbm:s0], s1  }
0x90: {  	s0 =	simm.s32 @!p0 $0x3  }
0x91: {  	_ =	swait.ge @!p0 [sflag:s0], s1  }
0x92: {  	s1 =	ssub.s32 @!p0 $0x0, s1;
	[sflag:s0] =	ssyncset.done @!p0 $0x0  }
0x93: {  	[sflag:s0] =	ssyncadd.s32 @!p0 s1  }
0x94: {  	[bflag:$0x3] =	sbarrier.arrive $0xFFFF  }
0x95: {  	_ =	shalt  }

// kernel: kernel.14.cloned.1.call-start
scs
__scs_entry_jumppad:
0x0: {  	(pc) =	sbr.rel $0x88, $3  }
0x1: {  	(tag) =	ssettag $0x0;
	lr =	simm.s32 $0x1  }
0x2: {  	[smem:$0x3F98] =	sst lr;
	_ =	strace $0xD0000000  }
0x3: {  	_ = 	snop  }
0x4: {  	_ = 	snop  }
0x5: {  	_ = 	snop  }
0x6: {  	_ = 	snop  }
0x7: {  	_ = 	snop  }
__scs_overlays_trampoline_lowered:
0x8: {  	[smem:$0x3FA7] =	sst s0  }
0x9: {  	[smem:$0x3FA8] =	sst s1  }
0xa: {  	[smem:$0x3FA9] =	sst s2  }
0xb: {  	[smem:$0x3FAA] =	sst s3  }
0xc: {  	[smem:$0x3FAB] =	sst s4  }
0xd: {  	[smem:$0x3FAC] =	sst s5  }
0xe: {  	[smem:$0x3FAD] =	sst s6  }
0xf: {  	[smem:$0x3FAE] =	sst s7  }
0x10: {  	[smem:$0x3FAF] =	sst s8  }
0x11: {  	[smem:$0x3FB0] =	sst s9;
	s0 =	simm.s32 @!p0 $0x0  }
0x12: {  	s1 =	sld [smem:$0x3F96];
	s0 =	simm.s32 @p0 $0x1  }
0x13: {  	[smem:$0x3FB1] =	sst s0;
	s0 =	simm.s32 @!p1 $0x0  }
0x14: {  	s2 =	sld [smem:$0x3F95];
	s0 =	simm.s32 @p1 $0x1  }
0x15: {  	[smem:$0x3FB2] =	sst s0;
	s0 =	simm.s32 @!p2 $0x0  }
0x16: {  	s3 =	sld [smem:$0x3FDB];
	s0 =	simm.s32 @p2 $0x1  }
0x17: {  	s4 =	simm.s32 $0x1BF5;
	[smem:$0x3FB4] =	sst s0  }
0x18: {  	s0 =	sld [smem:$0x3F97];
	_ =	swait.ge [sflag:s4], $0x0  }
0x19: {  	s7 =	sld [smem:$0x3F98]  }
0x1a: {  	s8 =	sadd.s32 $0xFFFFE003, lr  }
0x1b: {  	s9 =	sadd.s32 $0xFFFFFEF7, lr;
	s5 =	simm.s32 $0xFFFFFFFF;
	p2 =	slt.u32 s8, $0xFFFFF086  }
0x1c: {  	p1 =	slt.u32 s9, $0xF7A;
	s5 =	simm.s32 @!p2 $0x0  }
0x1d: {  	s5 =	simm.s32 @p1 $0x1;
	p0 =	seq.s32 s7, s2  }
0x1e: {  	s7 =	smul.u32 @!p0 $0xF7A, s2;
	p2 =	seq.s32 @!p0 s5, $0x0  }
0x1f: {  	s9 =	smul.u32 $0xF7A, s1;
	s8 =	simm.s32 @!p0 $0x1BF5;
	p2 =	por !p2, p0  }
0x20: {  	[sflag:s8] =	ssyncset.s32 @!p0 $0xFFFFF086;
	s6 =	sadd.s32 @!p0 s3, s7;
	s7 =	simm.s32 @!p0 $0x108  }
0x21: {  	s3 =	sadd.s32 s3, s9;
	s6 =	sadd.s32 @!p0 $0x88, s6;
	s7 =	simm.s32 @p2 $0x1082  }
0x22: {  	[simem:s7], [sflag:s8] =	dma.local @!p0 [hbm:s6], $0xF7A  }
0x23: {  	s9 =	sor.u32 $0xD0000000, s2;
	s6 =	simm.s32 $0x108;
	_ =	swait.ge @!p0 [sflag:s8], $0x0  }
0x24: {  	s3 =	sadd.s32 $0x88, s3;
	s6 =	simm.s32 @!p1 $0x1082;
	[sflag:s4] =	ssyncset.s32 $0xFFFFF086  }
0x25: {  	[simem:s6], [sflag:s4] =	dma.local [hbm:s3], $0xF7A  }
0x26: {  	[smem:$0x3F98] =	sst s1;
	(tag) =	ssettag s2;
	_ =	strace s9  }
0x27: {  	s1 =	sld [smem:$0x3FA8]  }
0x28: {  	s2 =	sld [smem:$0x3FA9]  }
0x29: {  	s4 =	sld [smem:$0x3FAB]  }
0x2a: {  	p0 =	seq.s32 s5, $0x0;
	s5 =	sld [smem:$0x3FAC]  }
0x2b: {  	s6 =	sld [smem:$0x3FAD]  }
0x2c: {  	s7 =	sld [smem:$0x3FAE]  }
0x2d: {  	s3 =	simm.s32 $0x108;
	s8 =	sld [smem:$0x3FAF]  }
0x2e: {  	s3 =	simm.s32 @!p0 $0x1082;
	s9 =	sld [smem:$0x3FB0]  }
0x2f: {  	lr =	sadd.s32 s0, s3;
	s0 =	sld [smem:$0x3FA7]  }
0x30: {  	s3 =	sld [smem:$0x3FAA]  }
0x31: {  	[smem:$0x3FB3] =	sst s10  }
0x32: {  	s10 =	sld [smem:$0x3FB1];
	_ =	sdelay $0x3  }
0x33: {  	p0 =	seq.s32 s10, $0x1;
	s10 =	sld [smem:$0x3FB3];
	_ =	sdelay $0x3  }
0x34: {  	[smem:$0x3FB3] =	sst s10  }
0x35: {  	s10 =	sld [smem:$0x3FB2];
	_ =	sdelay $0x3  }
0x36: {  	p1 =	seq.s32 s10, $0x1;
	s10 =	sld [smem:$0x3FB3];
	_ =	sdelay $0x3  }
0x37: {  	[smem:$0x3FB3] =	sst s10  }
0x38: {  	s10 =	sld [smem:$0x3FB4]  }
0x39: {  	_ = 	snop;
	(pc) =	sbr.ind lr, $3  }
0x3a: {  	_ = 	snop  }
0x3b: {  	_ = 	snop  }
0x3c: {  	p2 =	seq.s32 s10, $0x1;
	s10 =	sld [smem:$0x3FB3]  }
0x3d: {  	_ =	shalt  }
0x3e: {  	_ =	shalt  }
0x3f: {  	_ =	shalt  }
0x40: {  	_ =	shalt  }
0x41: {  	_ =	shalt  }
0x42: {  	_ =	shalt  }
0x43: {  	_ =	shalt  }
0x44: {  	_ =	shalt  }
0x45: {  	_ =	shalt  }
0x46: {  	_ =	shalt  }
0x47: {  	_ =	shalt  }
0x48: {  	_ =	shalt  }
0x49: {  	_ =	shalt  }
0x4a: {  	_ =	shalt  }
0x4b: {  	_ =	shalt  }
0x4c: {  	_ =	shalt  }
0x4d: {  	_ =	shalt  }
0x4e: {  	_ =	shalt  }
0x4f: {  	_ =	shalt  }
0x50: {  	_ =	shalt  }
0x51: {  	_ =	shalt  }
0x52: {  	_ =	shalt  }
0x53: {  	_ =	shalt  }
0x54: {  	_ =	shalt  }
0x55: {  	_ =	shalt  }
0x56: {  	_ =	shalt  }
0x57: {  	_ =	shalt  }
0x58: {  	_ =	shalt  }
0x59: {  	_ =	shalt  }
0x5a: {  	_ =	shalt  }
0x5b: {  	_ =	shalt  }
0x5c: {  	_ =	shalt  }
0x5d: {  	_ =	shalt  }
0x5e: {  	_ =	shalt  }
0x5f: {  	_ =	shalt  }
0x60: {  	_ =	shalt  }
0x61: {  	_ =	shalt  }
0x62: {  	_ =	shalt  }
0x63: {  	_ =	shalt  }
0x64: {  	_ =	shalt  }
0x65: {  	_ =	shalt  }
0x66: {  	_ =	shalt  }
0x67: {  	_ =	shalt  }
0x68: {  	_ =	shalt  }
0x69: {  	_ =	shalt  }
0x6a: {  	_ =	shalt  }
0x6b: {  	_ =	shalt  }
0x6c: {  	_ =	shalt  }
0x6d: {  	_ =	shalt  }
0x6e: {  	_ =	shalt  }
0x6f: {  	_ =	shalt  }
0x70: {  	_ =	shalt  }
0x71: {  	_ =	shalt  }
0x72: {  	_ =	shalt  }
0x73: {  	_ =	shalt  }
0x74: {  	_ =	shalt  }
0x75: {  	_ =	shalt  }
0x76: {  	_ =	shalt  }
0x77: {  	_ =	shalt  }
0x78: {  	_ =	shalt  }
0x79: {  	_ =	shalt  }
0x7a: {  	_ =	shalt  }
0x7b: {  	_ =	shalt  }
0x7c: {  	_ =	shalt  }
0x7d: {  	_ =	shalt  }
0x7e: {  	_ =	shalt  }
0x7f: {  	_ =	shalt  }
0x80: {  	_ =	shalt  }
0x81: {  	_ =	shalt  }
0x82: {  	_ =	shalt  }
0x83: {  	_ =	shalt  }
0x84: {  	_ =	shalt  }
0x85: {  	_ =	shalt  }
0x86: {  	_ =	shalt  }
0x87: {  	_ =	shalt  }
.Lfunc_end0:
.L_simem_size_0:
called_computation.2_lowered:
.L_overlay_start_0:
0x88: {  	s2 =	sld [smem:$0x3FD9]  }
0x89: {  	s3 =	sld [smem:$0x3FFE];
	_ =	sdelay $0x1  }
0x8a: {  	s1 =	srdreg.scid  }
0x8b: {  	s0 =	sand.u32 $0x1, s1  }
0x8c: {  	s16 =	sshll.u32 s0, $0xA;
	s2 =	sadd.s32 s3, s2  }
0x8d: {  	s2 =	sadd.s32 s2, s16  }
0x8e: {  	[smem:$0x3FBF] =	sst s2  }
0x8f: {  	_ = 	snop  }
0x90: {  	(tm) =	ssettm $0x1  }
0x91: {  	s17 =	sld [smem:$0x3FFB];
	_ =	sdelay $0x3  }
0x92: {  	_ =	strace s17  }
0x93: {  	s2 =	sld [smem:$0x3FFC];
	_ =	sdelay $0x3  }
0x94: {  	_ =	strace s2  }
0x95: {  	s2 =	sld [smem:$0x3FFD];
	_ =	sdelay $0x3  }
0x96: {  	_ =	strace s2  }
0x97: {  	_ =	strace $0x8FFFFFFF  }
0x98: {  	s18 =	sld [smem:$0x3FDB];
	_ =	sdelay $0x1  }
0x99: {  	s19 =	simm.s32 $_scs_section_size  }
0x9a: {  	s4 =	simm.s32 $_size__tile_overlayer_lowered;
	s5 =	simm.s32 $_tile_overlayer_lowered  }
0x9b: {  	s22 =	simm.s32 $0x1BFF;
	s21 =	sshll.u32 s5, $0x1;
	s2 =	sadd.s32 s19, s18  }
0x9c: {  	s6 =	simm.s32 $0x0;
	s20 =	sshll.u32 s4, $0x1;
	s4 =	sadd.s32 s21, s2  }
0x9d: {  	[timem:s6], [sflag:s22] =	dma.local [hbm:s4], s20  }
0x9e: {  	_ =	swait.ge [sflag:s22], s20  }
0x9f: {  	s3 =	ssub.s32 $0x0, s20;
	[sflag:s22] =	ssyncset.done $0x0  }
0xa0: {  	[sflag:s22] =	ssyncadd.s32 s3;
	_ =	sdelay $0x1  }
0xa1: {  	s23 =	simm.s32 $0x1B8B  }
0xa2: {  	_ =	swait.ge [sflag:s23], $0x1  }
0xa3: {  	[sflag:s23] =	ssyncset.done $0x0  }
0xa4: {  	s25 =	simm.s32 $0x1B8E;
	s24 =	sld [smem:$0x3FFE];
	[sflag:s23] =	ssyncadd.s32 $0xFFFFFFFF  }
0xa5: {  	s26 =	simm.s32 $execute0_lowered;
	[smem:$0x3FD2] =	sst s25  }
0xa6: {  	s4 =	sshll.u32 s26, $0x1;
	_ =	strace $0x8000004C;
	[dreg:$0x1] =	wrdreg $0xFFFFFFFF  }
0xa7: {  	s28 =	simm.s32 $_size_execute0_lowered;
	s2 =	sadd.s32 s2, s4;
	[dreg:$0x0] =	wrdreg $0x0  }
0xa8: {  	s4 =	sshll.u32 s28, $0x1;
	[dreg:$0x2] =	wrdreg s2  }
0xa9: {  	[dreg:$0x3] =	wrdreg s4  }
0xaa: {  	[dreg:$0x4] =	wrdreg $0xC0  }
0xab: {  	_ =	task [dreg:s6], $0x5FFFF  }
0xac: {  	[dreg:$0x1] =	wrdreg $0xFFFFFFFF  }
0xad: {  	[dreg:$0x0] =	wrdreg $0x60  }
0xae: {  	[dreg:$0x2] =	wrdreg s24  }
0xaf: {  	[dreg:$0x3] =	wrdreg $0xA8000  }
0xb0: {  	[dreg:$0x4] =	wrdreg $0x9  }
0xb1: {  	_ =	task.clear_ibuf [dreg:s6], $0x5FFFF;
	_ =	strace $0x9000004C  }
0xb2: {  	s29 =	simm.s32 $0x9;
	_ =	strace $0x8000004E  }
0xb3: {  	_ =	swait.ge [sflag:s29], $0x1  }
0xb4: {  	[sflag:s29] =	ssyncadd.s32 $0xFFFFFFFF  }
0xb5: {  	_ =	strace $0x9000004E  }
0xb6: {  	_ =	sfence  }
0xb7: {  	s30 =	sld [smem:$0x0];
	_ =	sdelay $0x2  }
0xb8: {  	s31 =	sshll.u32 s1, $0xD;
	s1 =	sshrl.u32 s1, $0x2  }
0xb9: {  	s3 =	sand.u32 $0x4000, s31;
	s1 =	sadd.s32 s1, s30  }
0xba: {  	s0 =	sor.u32 s3, s0;
	s1 =	sshll.u32 s1, $0x11  }
0xbb: {  	s0 =	sor.u32 s1, s0  }
0xbc: {  	s0 =	sadd.s32 $0x8F2B, s0  }
0xbd: {  	[sflag:s0] =	ssyncadd.remote.s32 $0x1  }
0xbe: {  	_ =	sfence.sel $0xFFFF  }
0xbf: {  	[dreg:$0x0] =	wrdreg $0xFFFFFFFF;
	(pc) =	sbr.abs _section_cstart, $3  }
0xc0: {  	[dreg:$0x1] =	wrdreg $0xFFFFFFFF  }
0xc1: {  	_ =	task.clear_ibuf [dreg:s6], $0x2FFFF;
	_ =	strace $0x9FFFFFFF  }
0xc2: {  	(tm) =	ssettm $0x7FFFFFFF  }
0xc3: {  	_ =	shalt  }
tec
execute0_lowered:
.L_overlay_start_1:
0x0: {  	(tag) =	ssettag $0x1  }
0x1: {  	s0 =	srdreg.scid;
	s7 =	rddreg [dreg:$0x0]  }
0x2: {  	s2 =	rddreg [dreg:$0x1];
	s3 =	simm.s32 $0x0;
	s14 =	simm.s32 $0x2800  }
0x3: {  	s15 =	simm.s32 $0x100;
	s16 =	simm.s32 $0x6800;
	s17 =	simm.s32 $0x1  }
0x4: {  	s18 =	simm.s32 $0x2;
	s19 =	simm.s32 $0x2680;
	s6 =	sand.u32 $0x1, s0  }
0x5: {  	s20 =	simm.s32 $0x2780;
	s0 =	stileid.u32;
	s8 =	smul.u32 $0x140000, s6  }
0x6: {  	s21 =	simm.s32 $0x0;
	[smem:$0x7FF] =	sst s3;
	s9 =	smul.u32 $0x14000, s0  }
0x7: {  	s4 =	sadd.s32 $0x2E00, s7;
	s1 =	sshll.u32 s6, $0x4;
	s10 =	smul.u32 $0x50000, s0  }
0x8: {  	s6 =	ssub.s32 $0x2, s6;
	s31 =	sshll.u32 s0, $0x6;
	s1 =	sor.u32 s0, s1  }
0x9: {  	s29 =	sshrl.u32 s6, $0x1;
	s5 =	smul.u32 $0x5000, s1;
	s1 =	rddreg [dreg:$0x2]  }
0xa: {  	_ =	strace $0x8000004D;
	s8 =	sadd.s32 s9, s8;
	s30 =	sshrl.u32 s10, $0x2  }
0xb: {  	s12 =	ssub.s32 s6, s29;
	s6 =	sor.u32 $0x1C03, s31;
	s8 =	sshrl.u32 s8, $0x3  }
0xc: {  	s13 =	sadd.s32 s30, s2;
	s10 =	smax.u32 s12, $0x1;
	s5 =	sshrl.u32 s5, $0x3  }
0xd: {  	s12 =	simm.s32 $0x3;
	s11 =	sadd.s32 s8, s7;
	s28 =	sadd.s32 s5, s7  }
0xe: {  	s5 =	sadd.s32 $0x2A000, s7;
	s9 =	sadd.s32 $0x89C00, s11;
	s11 =	sshrl.u32 s13, $0x3  }
0xf: {  	s13 =	simm.s32 $0x80;
	s7 =	sadd.s32 $0x75C00, s28;
	s8 =	sadd.s32 $0x76100, s28  }
.LBB2_1:
0x10: {  	[spmem:s11], [sflag:s6] =	dma.local [hbm:s5], $0x2800  }
0x11: {  	_ =	swait.ge [sflag:s12], $0x2800  }
0x12: {  	[sflag:s12] =	ssyncset.done $0x0  }
0x13: {  	[sflag:s12] =	ssyncadd.s32 $0xFFFFD800  }
0x14: {  	[bflag:$0x0] =	sbarrier.arrive $0xFFFF  }
0x15: {  	[tilespmem:s3], [sflag:$0x3] =	stream.linear.gather [hbm4b:s7+s3], $0x2800, $0x38;
	[tilespmem:$0x1E800] =	vst v63  }
0x16: {  	_ =	swait.ge [sflag:s12], $0x2800  }
0x17: {  	[sflag:s12] =	ssyncset.done $0x0  }
0x18: {  	[sflag:s12] =	ssyncadd.s32 $0xFFFFD800  }
0x19: {  	[tilespmem:s14], [sflag:$0x1] =	stream.indirect.gather [hbm4b:s4+s13], $0x80, s3, s13, $0xb8;
	[tilespmem:$0x1E800] =	vst v63  }
0x1a: {  	_ = 	snop  }
0x1b: {  	[tilespmem:s16], [sflag:$0x2] =	stream.indirect.gather [hbm4b:s4+s13], $0x80, s15, s13, $0xb8;
	[tilespmem:$0x1E800] =	vst v63  }
0x1c: {  	_ =	swait.ge [sflag:s17], $0x4000  }
0x1d: {  	[sflag:s17] =	ssyncset.done $0x0  }
0x1e: {  	s22 =	simm.s32 $0x80;
	[sflag:s17] =	ssyncadd.s32 $0xFFFFC000  }
0x1f: {  	[spmem:s2] =	stream.indirect.scatter.add.f32 [tilespmem:s14], [sflag:$0x3], $0x80, s22, s13, $0xb8;
	[tilespmem:$0x1E800] =	vst v63  }
0x20: {  	_ =	swait.ge [sflag:s12], $0x4000  }
0x21: {  	[sflag:s12] =	ssyncset.done $0x0  }
0x22: {  	s30 =	simm.s32 $0x200;
	[sflag:s12] =	ssyncadd.s32 $0xFFFFC000  }
0x23: {  	[tilespmem:s14], [sflag:$0x1] =	stream.indirect.gather [hbm4b:s4+s13], $0x80, s30, s13, $0xb8;
	[tilespmem:$0x1E800] =	vst v63  }
0x24: {  	_ =	swait.ge [sflag:s18], $0x4000  }
0x25: {  	[sflag:s18] =	ssyncset.done $0x0  }
0x26: {  	s31 =	simm.s32 $0x180;
	[sflag:s18] =	ssyncadd.s32 $0xFFFFC000  }
0x27: {  	[spmem:s2] =	stream.indirect.scatter.add.f32 [tilespmem:s16], [sflag:$0x3], $0x80, s31, s13, $0xb8;
	[tilespmem:$0x1E800] =	vst v63  }
0x28: {  	_ =	swait.ge [sflag:s12], $0x4000  }
0x29: {  	[sflag:s12] =	ssyncset.done $0x0  }
0x2a: {  	s23 =	simm.s32 $0x300;
	s22 =	simm.s32 $0xFFFF7000;
	[sflag:s12] =	ssyncadd.s32 $0xFFFFC000  }
.LBB2_2:
0x2b: {  	[tilespmem:s16], [sflag:$0x2] =	stream.indirect.gather [hbm4b:s4+s13], $0x80, s23, s13, $0xb8;
	[tilespmem:$0x1E800] =	vst v63  }
0x2c: {  	s23 =	smov.u32 s22  }
0x2d: {  	p0 =	sne.s32 s22, $0xFFFFF800;
	s22 =	sadd.s32 $0x800, s22;
	_ =	swait.ge [sflag:s17], $0x4000  }
0x2e: {  	s23 =	sshra.s32 s23, $0x2;
	[sflag:s17] =	ssyncset.done $0x0  }
0x2f: {  	s24 =	sadd.s32 $0x2680, s23;
	[sflag:s17] =	ssyncadd.s32 $0xFFFFC000  }
0x30: {  	[spmem:s2] =	stream.indirect.scatter.add.f32 [tilespmem:s14], [sflag:$0x3], $0x80, s24, s13, $0xb8;
	[tilespmem:$0x1E800] =	vst v63  }
0x31: {  	_ =	swait.ge [sflag:s12], $0x4000  }
0x32: {  	[sflag:s12] =	ssyncset.done $0x0  }
0x33: {  	s24 =	sadd.s32 $0x2800, s23;
	[sflag:s12] =	ssyncadd.s32 $0xFFFFC000  }
0x34: {  	[tilespmem:s14], [sflag:$0x1] =	stream.indirect.gather [hbm4b:s4+s13], $0x80, s24, s13, $0xb8;
	[tilespmem:$0x1E800] =	vst v63  }
0x35: {  	_ =	swait.ge [sflag:s18], $0x4000  }
0x36: {  	[sflag:s18] =	ssyncset.done $0x0  }
.Ltmp0:
0x37: {  	s24 =	sadd.s32 $0x2780, s23;
	[sflag:s18] =	ssyncadd.s32 $0xFFFFC000;
	(pc) =	sbr.rel @p0 .LBB2_2-.Ltmp0, $4  }
0x38: {  	[spmem:s2] =	stream.indirect.scatter.add.f32 [tilespmem:s16], [sflag:$0x3], $0x80, s24, s13, $0xb8;
	[tilespmem:$0x1E800] =	vst v63  }
0x39: {  	_ =	swait.ge [sflag:s12], $0x4000  }
0x3a: {  	[sflag:s12] =	ssyncset.done $0x0  }
0x3b: {  	s23 =	sadd.s32 $0x2900, s23;
	[sflag:s12] =	ssyncadd.s32 $0xFFFFC000  }
0x3c: {  	[tilespmem:s16], [sflag:$0x2] =	stream.indirect.gather [hbm4b:s4+s13], $0x80, s23, s13, $0xb8;
	[tilespmem:$0x1E800] =	vst v63  }
0x3d: {  	_ =	swait.ge [sflag:s17], $0x4000  }
0x3e: {  	[sflag:s17] =	ssyncset.done $0x0  }
0x3f: {  	[sflag:s17] =	ssyncadd.s32 $0xFFFFC000  }
0x40: {  	[spmem:s2] =	stream.indirect.scatter.add.f32 [tilespmem:s14], [sflag:$0x3], $0x80, s19, s13, $0xb8;
	[tilespmem:$0x1E800] =	vst v63  }
0x41: {  	_ =	swait.ge [sflag:s12], $0x4000  }
0x42: {  	[sflag:s12] =	ssyncset.done $0x0  }
0x43: {  	[sflag:s12] =	ssyncadd.s32 $0xFFFFC000  }
0x44: {  	_ =	swait.ge [sflag:s18], $0x4000  }
0x45: {  	[sflag:s18] =	ssyncset.done $0x0  }
0x46: {  	[sflag:s18] =	ssyncadd.s32 $0xFFFFC000  }
0x47: {  	[spmem:s2] =	stream.indirect.scatter.add.f32 [tilespmem:s16], [sflag:$0x3], $0x80, s20, s13, $0xb8;
	[tilespmem:$0x1E800] =	vst v63  }
0x48: {  	_ =	swait.ge [sflag:s12], $0x4000  }
0x49: {  	[sflag:s12] =	ssyncset.done $0x0  }
0x4a: {  	[sflag:s12] =	ssyncadd.s32 $0xFFFFC000  }
0x4b: {  	[tilespmem:s3], [sflag:$0x3] =	stream.linear.gather [hbm4b:s8+s3], $0x2800, $0x38;
	[tilespmem:$0x1E800] =	vst v63  }
0x4c: {  	_ =	swait.ge [sflag:s12], $0x2800  }
0x4d: {  	[sflag:s12] =	ssyncset.done $0x0  }
0x4e: {  	[sflag:s12] =	ssyncadd.s32 $0xFFFFD800  }
0x4f: {  	[tilespmem:s14], [sflag:$0x1] =	stream.indirect.gather [hbm4b:s4+s13], $0x80, s3, s13, $0xb8;
	[tilespmem:$0x1E800] =	vst v63  }
0x50: {  	_ = 	snop  }
0x51: {  	[tilespmem:s16], [sflag:$0x2] =	stream.indirect.gather [hbm4b:s4+s13], $0x80, s15, s13, $0xb8;
	[tilespmem:$0x1E800] =	vst v63  }
0x52: {  	_ =	swait.ge [sflag:s17], $0x4000  }
0x53: {  	[sflag:s17] =	ssyncset.done $0x0  }
0x54: {  	s22 =	simm.s32 $0x80;
	[sflag:s17] =	ssyncadd.s32 $0xFFFFC000  }
0x55: {  	[spmem:s2] =	stream.indirect.scatter.add.f32 [tilespmem:s14], [sflag:$0x3], $0x80, s22, s13, $0xb8;
	[tilespmem:$0x1E800] =	vst v63  }
0x56: {  	_ =	swait.ge [sflag:s12], $0x4000  }
0x57: {  	[sflag:s12] =	ssyncset.done $0x0  }
0x58: {  	s30 =	simm.s32 $0x200;
	[sflag:s12] =	ssyncadd.s32 $0xFFFFC000  }
0x59: {  	[tilespmem:s14], [sflag:$0x1] =	stream.indirect.gather [hbm4b:s4+s13], $0x80, s30, s13, $0xb8;
	[tilespmem:$0x1E800] =	vst v63  }
0x5a: {  	_ =	swait.ge [sflag:s18], $0x4000  }
0x5b: {  	[sflag:s18] =	ssyncset.done $0x0  }
0x5c: {  	s31 =	simm.s32 $0x180;
	[sflag:s18] =	ssyncadd.s32 $0xFFFFC000  }
0x5d: {  	[spmem:s2] =	stream.indirect.scatter.add.f32 [tilespmem:s16], [sflag:$0x3], $0x80, s31, s13, $0xb8;
	[tilespmem:$0x1E800] =	vst v63  }
0x5e: {  	_ =	swait.ge [sflag:s12], $0x4000  }
0x5f: {  	[sflag:s12] =	ssyncset.done $0x0  }
0x60: {  	s23 =	simm.s32 $0x300;
	s22 =	simm.s32 $0xFFFF7000;
	[sflag:s12] =	ssyncadd.s32 $0xFFFFC000  }
.LBB2_4:
0x61: {  	[tilespmem:s16], [sflag:$0x2] =	stream.indirect.gather [hbm4b:s4+s13], $0x80, s23, s13, $0xb8;
	[tilespmem:$0x1E800] =	vst v63  }
0x62: {  	s23 =	smov.u32 s22  }
0x63: {  	p0 =	sne.s32 s22, $0xFFFFF800;
	s22 =	sadd.s32 $0x800, s22;
	_ =	swait.ge [sflag:s17], $0x4000  }
0x64: {  	s23 =	sshra.s32 s23, $0x2;
	[sflag:s17] =	ssyncset.done $0x0  }
0x65: {  	s24 =	sadd.s32 $0x2680, s23;
	[sflag:s17] =	ssyncadd.s32 $0xFFFFC000  }
0x66: {  	[spmem:s2] =	stream.indirect.scatter.add.f32 [tilespmem:s14], [sflag:$0x3], $0x80, s24, s13, $0xb8;
	[tilespmem:$0x1E800] =	vst v63  }
0x67: {  	_ =	swait.ge [sflag:s12], $0x4000  }
0x68: {  	[sflag:s12] =	ssyncset.done $0x0  }
0x69: {  	s24 =	sadd.s32 $0x2800, s23;
	[sflag:s12] =	ssyncadd.s32 $0xFFFFC000  }
0x6a: {  	[tilespmem:s14], [sflag:$0x1] =	stream.indirect.gather [hbm4b:s4+s13], $0x80, s24, s13, $0xb8;
	[tilespmem:$0x1E800] =	vst v63  }
0x6b: {  	_ =	swait.ge [sflag:s18], $0x4000  }
0x6c: {  	[sflag:s18] =	ssyncset.done $0x0  }
.Ltmp1:
0x6d: {  	s24 =	sadd.s32 $0x2780, s23;
	[sflag:s18] =	ssyncadd.s32 $0xFFFFC000;
	(pc) =	sbr.rel @p0 .LBB2_4-.Ltmp1, $4  }
0x6e: {  	[spmem:s2] =	stream.indirect.scatter.add.f32 [tilespmem:s16], [sflag:$0x3], $0x80, s24, s13, $0xb8;
	[tilespmem:$0x1E800] =	vst v63  }
0x6f: {  	_ =	swait.ge [sflag:s12], $0x4000  }
0x70: {  	[sflag:s12] =	ssyncset.done $0x0  }
0x71: {  	s23 =	sadd.s32 $0x2900, s23;
	[sflag:s12] =	ssyncadd.s32 $0xFFFFC000  }
0x72: {  	[tilespmem:s16], [sflag:$0x2] =	stream.indirect.gather [hbm4b:s4+s13], $0x80, s23, s13, $0xb8;
	[tilespmem:$0x1E800] =	vst v63  }
0x73: {  	_ =	swait.ge [sflag:s17], $0x4000  }
0x74: {  	[sflag:s17] =	ssyncset.done $0x0  }
0x75: {  	[sflag:s17] =	ssyncadd.s32 $0xFFFFC000  }
0x76: {  	[spmem:s2] =	stream.indirect.scatter.add.f32 [tilespmem:s14], [sflag:$0x3], $0x80, s19, s13, $0xb8;
	[tilespmem:$0x1E800] =	vst v63  }
0x77: {  	_ =	swait.ge [sflag:s12], $0x4000  }
0x78: {  	[sflag:s12] =	ssyncset.done $0x0  }
0x79: {  	[sflag:s12] =	ssyncadd.s32 $0xFFFFC000  }
0x7a: {  	_ =	swait.ge [sflag:s18], $0x4000  }
0x7b: {  	[sflag:s18] =	ssyncset.done $0x0  }
0x7c: {  	[sflag:s18] =	ssyncadd.s32 $0xFFFFC000  }
0x7d: {  	[spmem:s2] =	stream.indirect.scatter.add.f32 [tilespmem:s16], [sflag:$0x3], $0x80, s20, s13, $0xb8;
	[tilespmem:$0x1E800] =	vst v63  }
0x7e: {  	_ =	swait.ge [sflag:s12], $0x4000  }
0x7f: {  	s21 =	sadd.s32 $0x1, s21;
	[sflag:s12] =	ssyncset.done $0x0  }
0x80: {  	p0 =	sne.s32 s21, s10;
	[sflag:s12] =	ssyncadd.s32 $0xFFFFC000  }
.Ltmp2:
0x81: {  	[bflag:$0x0] =	sbarrier.arrive $0xFFFF;
	(pc) =	sbr.rel @p0 .LBB2_1-.Ltmp2, $4  }
0x82: {  	[hbm:s9], [sflag:s6] =	dma.local [spmem:s11], $0x2800  }
0x83: {  	_ =	swait.ge [sflag:s12], $0x2800  }
0x84: {  	[sflag:s12] =	ssyncset.done $0x0  }
0x85: {  	[sflag:s12] =	ssyncadd.s32 $0xFFFFD800  }
0x86: {  	_ =	sfence.sel $0x180000  }
0x87: {  	[bflag:$0x0] =	sbarrier.arrive $0xFFFF  }
0x88: {  	p0 =	sne.s32 s0, $0x0;
	_ =	strace $0x9000004D  }
0x89: {  	s0 =	sadd.s32 @!p0 $0x100000, s1;
	[bflag:$0x2] =	sbarrier.arrive $0xFFFF  }
0x8a: {  	[sflag:s0] =	ssyncadd.tile.s32 @!p0 $0x1;
	_ =	shalt  }
.Lfunc_end2:
_tile_overlayer_lowered:
.L_overlay_start_2:
0x8b: {  	(tag) =	ssettag $0x2  }
0x8c: {  	s0 =	rddreg [dreg:$0x0];
	s2 =	stileid.u32  }
0x8d: {  	s1 =	rddreg [dreg:$0x1];
	p0 =	sne.s32 s2, $0x0  }
0x8e: {  	s3 =	rddreg [dreg:$0x2];
	[bflag:$0x3] =	sbarrier.arrive $0xFFFF;
	s2 =	simm.s32 @!p0 $0x1C03  }
0x8f: {  	[timem:s3], [sflag:s2] =	dma.local @!p0 [hbm:s0], s1  }
0x90: {  	s0 =	simm.s32 @!p0 $0x3  }
0x91: {  	_ =	swait.ge @!p0 [sflag:s0], s1  }
0x92: {  	s1 =	ssub.s32 @!p0 $0x0, s1;
	[sflag:s0] =	ssyncset.done @!p0 $0x0  }
0x93: {  	[sflag:s0] =	ssyncadd.s32 @!p0 s1  }
0x94: {  	[bflag:$0x3] =	sbarrier.arrive $0xFFFF  }
0x95: {  	_ =	shalt  }

// kernel: kernel.8.cloned.1.call-start
scs
__scs_entry_jumppad:
0x0: {  	(pc) =	sbr.rel $0x88, $3  }
0x1: {  	(tag) =	ssettag $0x0;
	lr =	simm.s32 $0x1  }
0x2: {  	[smem:$0x3F98] =	sst lr;
	_ =	strace $0xD0000000  }
0x3: {  	_ = 	snop  }
0x4: {  	_ = 	snop  }
0x5: {  	_ = 	snop  }
0x6: {  	_ = 	snop  }
0x7: {  	_ = 	snop  }
__scs_overlays_trampoline_lowered:
0x8: {  	[smem:$0x3FA7] =	sst s0  }
0x9: {  	[smem:$0x3FA8] =	sst s1  }
0xa: {  	[smem:$0x3FA9] =	sst s2  }
0xb: {  	[smem:$0x3FAA] =	sst s3  }
0xc: {  	[smem:$0x3FAB] =	sst s4  }
0xd: {  	[smem:$0x3FAC] =	sst s5  }
0xe: {  	[smem:$0x3FAD] =	sst s6  }
0xf: {  	[smem:$0x3FAE] =	sst s7  }
0x10: {  	[smem:$0x3FAF] =	sst s8  }
0x11: {  	[smem:$0x3FB0] =	sst s9;
	s0 =	simm.s32 @!p0 $0x0  }
0x12: {  	s1 =	sld [smem:$0x3F96];
	s0 =	simm.s32 @p0 $0x1  }
0x13: {  	[smem:$0x3FB1] =	sst s0;
	s0 =	simm.s32 @!p1 $0x0  }
0x14: {  	s2 =	sld [smem:$0x3F95];
	s0 =	simm.s32 @p1 $0x1  }
0x15: {  	[smem:$0x3FB2] =	sst s0;
	s0 =	simm.s32 @!p2 $0x0  }
0x16: {  	s3 =	sld [smem:$0x3FDB];
	s0 =	simm.s32 @p2 $0x1  }
0x17: {  	s4 =	simm.s32 $0x1BF5;
	[smem:$0x3FB4] =	sst s0  }
0x18: {  	s0 =	sld [smem:$0x3F97];
	_ =	swait.ge [sflag:s4], $0x0  }
0x19: {  	s7 =	sld [smem:$0x3F98]  }
0x1a: {  	s8 =	sadd.s32 $0xFFFFE003, lr  }
0x1b: {  	s9 =	sadd.s32 $0xFFFFFEF7, lr;
	s5 =	simm.s32 $0xFFFFFFFF;
	p2 =	slt.u32 s8, $0xFFFFF086  }
0x1c: {  	p1 =	slt.u32 s9, $0xF7A;
	s5 =	simm.s32 @!p2 $0x0  }
0x1d: {  	s5 =	simm.s32 @p1 $0x1;
	p0 =	seq.s32 s7, s2  }
0x1e: {  	s7 =	smul.u32 @!p0 $0xF7A, s2;
	p2 =	seq.s32 @!p0 s5, $0x0  }
0x1f: {  	s9 =	smul.u32 $0xF7A, s1;
	s8 =	simm.s32 @!p0 $0x1BF5;
	p2 =	por !p2, p0  }
0x20: {  	[sflag:s8] =	ssyncset.s32 @!p0 $0xFFFFF086;
	s6 =	sadd.s32 @!p0 s3, s7;
	s7 =	simm.s32 @!p0 $0x108  }
0x21: {  	s3 =	sadd.s32 s3, s9;
	s6 =	sadd.s32 @!p0 $0x88, s6;
	s7 =	simm.s32 @p2 $0x1082  }
0x22: {  	[simem:s7], [sflag:s8] =	dma.local @!p0 [hbm:s6], $0xF7A  }
0x23: {  	s9 =	sor.u32 $0xD0000000, s2;
	s6 =	simm.s32 $0x108;
	_ =	swait.ge @!p0 [sflag:s8], $0x0  }
0x24: {  	s3 =	sadd.s32 $0x88, s3;
	s6 =	simm.s32 @!p1 $0x1082;
	[sflag:s4] =	ssyncset.s32 $0xFFFFF086  }
0x25: {  	[simem:s6], [sflag:s4] =	dma.local [hbm:s3], $0xF7A  }
0x26: {  	[smem:$0x3F98] =	sst s1;
	(tag) =	ssettag s2;
	_ =	strace s9  }
0x27: {  	s1 =	sld [smem:$0x3FA8]  }
0x28: {  	s2 =	sld [smem:$0x3FA9]  }
0x29: {  	s4 =	sld [smem:$0x3FAB]  }
0x2a: {  	p0 =	seq.s32 s5, $0x0;
	s5 =	sld [smem:$0x3FAC]  }
0x2b: {  	s6 =	sld [smem:$0x3FAD]  }
0x2c: {  	s7 =	sld [smem:$0x3FAE]  }
0x2d: {  	s3 =	simm.s32 $0x108;
	s8 =	sld [smem:$0x3FAF]  }
0x2e: {  	s3 =	simm.s32 @!p0 $0x1082;
	s9 =	sld [smem:$0x3FB0]  }
0x2f: {  	lr =	sadd.s32 s0, s3;
	s0 =	sld [smem:$0x3FA7]  }
0x30: {  	s3 =	sld [smem:$0x3FAA]  }
0x31: {  	[smem:$0x3FB3] =	sst s10  }
0x32: {  	s10 =	sld [smem:$0x3FB1];
	_ =	sdelay $0x3  }
0x33: {  	p0 =	seq.s32 s10, $0x1;
	s10 =	sld [smem:$0x3FB3];
	_ =	sdelay $0x3  }
0x34: {  	[smem:$0x3FB3] =	sst s10  }
0x35: {  	s10 =	sld [smem:$0x3FB2];
	_ =	sdelay $0x3  }
0x36: {  	p1 =	seq.s32 s10, $0x1;
	s10 =	sld [smem:$0x3FB3];
	_ =	sdelay $0x3  }
0x37: {  	[smem:$0x3FB3] =	sst s10  }
0x38: {  	s10 =	sld [smem:$0x3FB4]  }
0x39: {  	_ = 	snop;
	(pc) =	sbr.ind lr, $3  }
0x3a: {  	_ = 	snop  }
0x3b: {  	_ = 	snop  }
0x3c: {  	p2 =	seq.s32 s10, $0x1;
	s10 =	sld [smem:$0x3FB3]  }
0x3d: {  	_ =	shalt  }
0x3e: {  	_ =	shalt  }
0x3f: {  	_ =	shalt  }
0x40: {  	_ =	shalt  }
0x41: {  	_ =	shalt  }
0x42: {  	_ =	shalt  }
0x43: {  	_ =	shalt  }
0x44: {  	_ =	shalt  }
0x45: {  	_ =	shalt  }
0x46: {  	_ =	shalt  }
0x47: {  	_ =	shalt  }
0x48: {  	_ =	shalt  }
0x49: {  	_ =	shalt  }
0x4a: {  	_ =	shalt  }
0x4b: {  	_ =	shalt  }
0x4c: {  	_ =	shalt  }
0x4d: {  	_ =	shalt  }
0x4e: {  	_ =	shalt  }
0x4f: {  	_ =	shalt  }
0x50: {  	_ =	shalt  }
0x51: {  	_ =	shalt  }
0x52: {  	_ =	shalt  }
0x53: {  	_ =	shalt  }
0x54: {  	_ =	shalt  }
0x55: {  	_ =	shalt  }
0x56: {  	_ =	shalt  }
0x57: {  	_ =	shalt  }
0x58: {  	_ =	shalt  }
0x59: {  	_ =	shalt  }
0x5a: {  	_ =	shalt  }
0x5b: {  	_ =	shalt  }
0x5c: {  	_ =	shalt  }
0x5d: {  	_ =	shalt  }
0x5e: {  	_ =	shalt  }
0x5f: {  	_ =	shalt  }
0x60: {  	_ =	shalt  }
0x61: {  	_ =	shalt  }
0x62: {  	_ =	shalt  }
0x63: {  	_ =	shalt  }
0x64: {  	_ =	shalt  }
0x65: {  	_ =	shalt  }
0x66: {  	_ =	shalt  }
0x67: {  	_ =	shalt  }
0x68: {  	_ =	shalt  }
0x69: {  	_ =	shalt  }
0x6a: {  	_ =	shalt  }
0x6b: {  	_ =	shalt  }
0x6c: {  	_ =	shalt  }
0x6d: {  	_ =	shalt  }
0x6e: {  	_ =	shalt  }
0x6f: {  	_ =	shalt  }
0x70: {  	_ =	shalt  }
0x71: {  	_ =	shalt  }
0x72: {  	_ =	shalt  }
0x73: {  	_ =	shalt  }
0x74: {  	_ =	shalt  }
0x75: {  	_ =	shalt  }
0x76: {  	_ =	shalt  }
0x77: {  	_ =	shalt  }
0x78: {  	_ =	shalt  }
0x79: {  	_ =	shalt  }
0x7a: {  	_ =	shalt  }
0x7b: {  	_ =	shalt  }
0x7c: {  	_ =	shalt  }
0x7d: {  	_ =	shalt  }
0x7e: {  	_ =	shalt  }
0x7f: {  	_ =	shalt  }
0x80: {  	_ =	shalt  }
0x81: {  	_ =	shalt  }
0x82: {  	_ =	shalt  }
0x83: {  	_ =	shalt  }
0x84: {  	_ =	shalt  }
0x85: {  	_ =	shalt  }
0x86: {  	_ =	shalt  }
0x87: {  	_ =	shalt  }
.Lfunc_end0:
.L_simem_size_0:
called_computation_lowered:
.L_overlay_start_0:
0x88: {  	s2 =	sld [smem:$0x3FD9]  }
0x89: {  	s3 =	sld [smem:$0x3FFE];
	_ =	sdelay $0x1  }
0x8a: {  	s1 =	srdreg.scid  }
0x8b: {  	s0 =	sand.u32 $0x1, s1  }
0x8c: {  	s16 =	sshll.u32 s0, $0xA;
	s2 =	sadd.s32 s3, s2  }
0x8d: {  	s2 =	sadd.s32 s2, s16  }
0x8e: {  	[smem:$0x3FBF] =	sst s2  }
0x8f: {  	_ = 	snop  }
0x90: {  	(tm) =	ssettm $0x1  }
0x91: {  	s17 =	sld [smem:$0x3FFB];
	_ =	sdelay $0x3  }
0x92: {  	_ =	strace s17  }
0x93: {  	s2 =	sld [smem:$0x3FFC];
	_ =	sdelay $0x3  }
0x94: {  	_ =	strace s2  }
0x95: {  	s2 =	sld [smem:$0x3FFD];
	_ =	sdelay $0x3  }
0x96: {  	_ =	strace s2  }
0x97: {  	_ =	strace $0x8FFFFFFF  }
0x98: {  	s18 =	sld [smem:$0x3FDB];
	_ =	sdelay $0x1  }
0x99: {  	s19 =	simm.s32 $_scs_section_size  }
0x9a: {  	s4 =	simm.s32 $_size__tile_overlayer_lowered;
	s5 =	simm.s32 $_tile_overlayer_lowered  }
0x9b: {  	s22 =	simm.s32 $0x1BFF;
	s21 =	sshll.u32 s5, $0x1;
	s2 =	sadd.s32 s19, s18  }
0x9c: {  	s6 =	simm.s32 $0x0;
	s20 =	sshll.u32 s4, $0x1;
	s4 =	sadd.s32 s21, s2  }
0x9d: {  	[timem:s6], [sflag:s22] =	dma.local [hbm:s4], s20  }
0x9e: {  	_ =	swait.ge [sflag:s22], s20  }
0x9f: {  	s3 =	ssub.s32 $0x0, s20;
	[sflag:s22] =	ssyncset.done $0x0  }
0xa0: {  	[sflag:s22] =	ssyncadd.s32 s3;
	_ =	sdelay $0x1  }
0xa1: {  	s23 =	simm.s32 $0x1B8B  }
0xa2: {  	_ =	swait.ge [sflag:s23], $0x1  }
0xa3: {  	[sflag:s23] =	ssyncset.done $0x0  }
0xa4: {  	s25 =	simm.s32 $0x1B8E;
	s24 =	sld [smem:$0x3FFE];
	[sflag:s23] =	ssyncadd.s32 $0xFFFFFFFF  }
0xa5: {  	s26 =	simm.s32 $execute0_lowered;
	[smem:$0x3FD2] =	sst s25  }
0xa6: {  	s4 =	sshll.u32 s26, $0x1;
	_ =	strace $0x80000046;
	[dreg:$0x1] =	wrdreg $0xFFFFFFFF  }
0xa7: {  	s28 =	simm.s32 $_size_execute0_lowered;
	s2 =	sadd.s32 s2, s4;
	[dreg:$0x0] =	wrdreg $0x0  }
0xa8: {  	s4 =	sshll.u32 s28, $0x1;
	[dreg:$0x2] =	wrdreg s2  }
0xa9: {  	[dreg:$0x3] =	wrdreg s4  }
0xaa: {  	[dreg:$0x4] =	wrdreg $0xC0  }
0xab: {  	_ =	task [dreg:s6], $0x5FFFF  }
0xac: {  	[dreg:$0x1] =	wrdreg $0xFFFFFFFF  }
0xad: {  	[dreg:$0x0] =	wrdreg $0x60  }
0xae: {  	[dreg:$0x2] =	wrdreg s24  }
0xaf: {  	[dreg:$0x3] =	wrdreg $0x68000  }
0xb0: {  	[dreg:$0x4] =	wrdreg $0x9  }
0xb1: {  	_ =	task.clear_ibuf [dreg:s6], $0x5FFFF;
	_ =	strace $0x90000046  }
0xb2: {  	s29 =	simm.s32 $0x9;
	_ =	strace $0x80000048  }
0xb3: {  	_ =	swait.ge [sflag:s29], $0x1  }
0xb4: {  	[sflag:s29] =	ssyncadd.s32 $0xFFFFFFFF  }
0xb5: {  	_ =	strace $0x90000048  }
0xb6: {  	_ =	sfence  }
0xb7: {  	s30 =	sld [smem:$0x0];
	_ =	sdelay $0x2  }
0xb8: {  	s31 =	sshll.u32 s1, $0xD;
	s1 =	sshrl.u32 s1, $0x2  }
0xb9: {  	s3 =	sand.u32 $0x4000, s31;
	s1 =	sadd.s32 s1, s30  }
0xba: {  	s0 =	sor.u32 s3, s0;
	s1 =	sshll.u32 s1, $0x11  }
0xbb: {  	s0 =	sor.u32 s1, s0  }
0xbc: {  	s0 =	sadd.s32 $0x8F2B, s0  }
0xbd: {  	[sflag:s0] =	ssyncadd.remote.s32 $0x1  }
0xbe: {  	_ =	sfence.sel $0xFFFF  }
0xbf: {  	[dreg:$0x0] =	wrdreg $0xFFFFFFFF;
	(pc) =	sbr.abs _section_cstart, $3  }
0xc0: {  	[dreg:$0x1] =	wrdreg $0xFFFFFFFF  }
0xc1: {  	_ =	task.clear_ibuf [dreg:s6], $0x2FFFF;
	_ =	strace $0x9FFFFFFF  }
0xc2: {  	(tm) =	ssettm $0x7FFFFFFF  }
0xc3: {  	_ =	shalt  }
tec
execute0_lowered:
.L_overlay_start_1:
0x0: {  	(tag) =	ssettag $0x1  }
0x1: {  	s6 =	rddreg [dreg:$0x0]  }
0x2: {  	s1 =	rddreg [dreg:$0x1];
	s2 =	srdreg.scid  }
0x3: {  	s0 =	rddreg [dreg:$0x2];
	s3 =	simm.s32 $0x0;
	s7 =	sand.u32 $0x1, s2  }
0x4: {  	s13 =	simm.s32 $0x50;
	s2 =	stileid.u32;
	s5 =	smul.u32 $0x140000, s7  }
0x5: {  	s14 =	simm.s32 $0x0;
	[smem:$0x7FF] =	sst s3;
	s8 =	smul.u32 $0x14000, s2  }
0x6: {  	_ =	strace $0x80000047;
	s4 =	sshll.u32 s2, $0xB;
	s10 =	smul.u32 $0x50000, s2  }
0x7: {  	s28 =	ssub.s32 $0x2, s7;
	s7 =	sshll.u32 s7, $0xF;
	s31 =	sshll.u32 s2, $0x6  }
0x8: {  	s9 =	sadd.s32 s4, s6;
	s4 =	sadd.s32 $0x25600, s6;
	s11 =	sshrl.u32 s28, $0x1  }
0x9: {  	s8 =	sadd.s32 s8, s5;
	s5 =	sadd.s32 $0x22E00, s6;
	s7 =	sadd.s32 s7, s9  }
0xa: {  	s29 =	sshrl.u32 s10, $0x2;
	s30 =	ssub.s32 s28, s11;
	s9 =	simm.s32 $0x1  }
0xb: {  	s10 =	simm.s32 $0x4000;
	s11 =	sor.u32 $0x1C01, s31;
	s8 =	sshrl.u32 s8, $0x3  }
0xc: {  	s12 =	sadd.s32 s29, s1;
	s8 =	sadd.s32 s8, s6;
	s6 =	sadd.s32 $0x12E00, s7  }
0xd: {  	s12 =	sshrl.u32 s12, $0x3;
	s7 =	sadd.s32 $0x25C00, s8;
	s8 =	smax.u32 s30, $0x1  }
.LBB2_1:
0xe: {  	[tilespmem:s3], [sflag:$0x1] =	stream.linear.gather [hbm4b:s6+s3], $0x3E80, $0x38;
	[tilespmem:$0x9000] =	vst v63  }
0xf: {  	_ =	swait.ge [sflag:s9], $0x3E80  }
0x10: {  	[sflag:s9] =	ssyncset.done $0x0  }
0x11: {  	[sflag:s9] =	ssyncadd.s32 $0xFFFFC180  }
0x12: {  	[tilespmem:s10], [sflag:$0x1] =	stream.linear.gather [hbm4b:s4+s3], $0x2800, $0x38;
	[tilespmem:$0x9000] =	vst v63  }
0x13: {  	_ =	swait.ge [sflag:s9], $0x2800  }
0x14: {  	[sflag:s9] =	ssyncset.done $0x0  }
0x15: {  	[sflag:s9] =	ssyncadd.s32 $0xFFFFD800  }
0x16: {  	[spmem:s12], [sflag:s11] =	dma.local [hbm:s5], $0x2800  }
0x17: {  	_ =	swait.ge [sflag:s9], $0x2800  }
0x18: {  	[sflag:s9] =	ssyncset.done $0x0  }
0x19: {  	[sflag:s9] =	ssyncadd.s32 $0xFFFFD800  }
0x1a: {  	s15 =	simm.s32 $0x0;
	[bflag:$0x0] =	sbarrier.arrive $0xFFFF  }
0x1b: {  	[spmem:s1] =	stream.indirect.scatter.add.f32 [tilespmem:s10], [sflag:$0x1], $0x10, s15, s13, $0xb8;
	[tilespmem:$0x9000] =	vst v63  }
0x1c: {  	_ =	swait.ge [sflag:s9], $0x500  }
0x1d: {  	s15 =	simm.s32 $0x200;
	[sflag:s9] =	ssyncset.done $0x0  }
.LBB2_2:
0x1e: {  	s16 =	sshra.s32 s15, $0x2;
	[sflag:s9] =	ssyncadd.s32 $0xFFFFFB00;
	p0 =	sne.s32 s15, $0xF800  }
0x1f: {  	[spmem:s1] =	stream.indirect.scatter.add.f32 [tilespmem:s10], [sflag:$0x1], $0x10, s16, s13, $0xb8;
	[tilespmem:$0x9000] =	vst v63  }
.Ltmp0:
0x20: {  	_ = 	snop;
	(pc) =	sbr.rel @p0 .LBB2_2-.Ltmp0, $4  }
0x21: {  	_ = 	snop  }
0x22: {  	s15 =	sadd.s32 $0x200, s15  }
0x23: {  	_ =	swait.ge [sflag:s9], $0x500  }
0x24: {  	[sflag:s9] =	ssyncset.done $0x0  }
0x25: {  	s14 =	sadd.s32 $0x1, s14  }
0x26: {  	[sflag:s9] =	ssyncadd.s32 $0xFFFFFB00;
	p0 =	sne.s32 s14, s8  }
.Ltmp1:
0x27: {  	[bflag:$0x0] =	sbarrier.arrive $0xFFFF;
	(pc) =	sbr.rel @p0 .LBB2_1-.Ltmp1, $4  }
0x28: {  	[hbm:s7], [sflag:s11] =	dma.local [spmem:s12], $0x2800  }
0x29: {  	_ =	swait.ge [sflag:s9], $0x2800  }
0x2a: {  	[sflag:s9] =	ssyncset.done $0x0  }
0x2b: {  	[sflag:s9] =	ssyncadd.s32 $0xFFFFD800  }
0x2c: {  	_ =	sfence.sel $0x180000  }
0x2d: {  	[bflag:$0x0] =	sbarrier.arrive $0xFFFF  }
0x2e: {  	p0 =	sne.s32 s2, $0x0;
	_ =	strace $0x90000047  }
0x2f: {  	s0 =	sadd.s32 @!p0 $0x100000, s0;
	[bflag:$0x2] =	sbarrier.arrive $0xFFFF  }
0x30: {  	[sflag:s0] =	ssyncadd.tile.s32 @!p0 $0x1;
	_ =	shalt  }
.Lfunc_end2:
_tile_overlayer_lowered:
.L_overlay_start_2:
0x31: {  	(tag) =	ssettag $0x2  }
0x32: {  	s0 =	rddreg [dreg:$0x0];
	s2 =	stileid.u32  }
0x33: {  	s1 =	rddreg [dreg:$0x1];
	p0 =	sne.s32 s2, $0x0  }
0x34: {  	s3 =	rddreg [dreg:$0x2];
	[bflag:$0x3] =	sbarrier.arrive $0xFFFF;
	s2 =	simm.s32 @!p0 $0x1C01  }
0x35: {  	[timem:s3], [sflag:s2] =	dma.local @!p0 [hbm:s0], s1  }
0x36: {  	s0 =	simm.s32 @!p0 $0x1  }
0x37: {  	_ =	swait.ge @!p0 [sflag:s0], s1  }
0x38: {  	s1 =	ssub.s32 @!p0 $0x0, s1;
	[sflag:s0] =	ssyncset.done @!p0 $0x0  }
0x39: {  	[sflag:s0] =	ssyncadd.s32 @!p0 s1  }
0x3a: {  	[bflag:$0x3] =	sbarrier.arrive $0xFFFF  }
0x3b: {  	_ =	shalt  }

</sc_bundles>
